<compile_context>
chip_gen: v7x
topology: tpu7x:2x2x1
jax: 0.10.2.dev20260603
libtpu: 0.0.44.dev20260713+nightly
codegen_flags: <defaults>
</compile_context>

<pallas_src>
import functools

import jax
import jax.numpy as jnp
from jax import lax
from jax.experimental import pallas as pl
from jax.experimental.pallas import tpu as pltpu
from jax.experimental.pallas import tpu_sc as plsc

_M = 400
_K = 10
_BETA = 0.15
_D = 64
_NQ = 256
_CH = 128
_DP = 128


def _sc_gather(table, idx3d, n_workers, n_chunks):
    mesh = plsc.VectorSubcoreMesh(core_axis_name="c", subcore_axis_name="s")
    num_cores = 2

    @functools.partial(
        pl.kernel,
        mesh=mesh,
        out_type=jax.ShapeDtypeStruct((n_workers, n_chunks, _CH, _DP), jnp.float32),
        scratch_types=[
            pltpu.VMEM((n_chunks, _CH), jnp.int32),
            pltpu.VMEM((_CH, _DP), jnp.float32),
            pltpu.VMEM((_CH, _DP), jnp.float32),
            pltpu.SemaphoreType.DMA,
            pltpu.SemaphoreType.DMA,
        ],
    )
    def gather_kernel(table_hbm, idx_hbm, out_hbm, idx_v, rows0, rows1, sem0, sem1):
        wid = lax.axis_index("s") * num_cores + lax.axis_index("c")
        pltpu.sync_copy(idx_hbm.at[wid], idx_v)
        pltpu.async_copy(table_hbm.at[idx_v.at[0]], rows0, sem0)

        def body(c, _):
            even = lax.rem(c, 2) == 0

            @pl.when(even)
            def _():
                pltpu.make_async_copy(table_hbm.at[idx_v.at[c]], rows0, sem0).wait()

                @pl.when(c + 1 < n_chunks)
                def _():
                    pltpu.async_copy(table_hbm.at[idx_v.at[c + 1]], rows1, sem1)

                pltpu.sync_copy(rows0, out_hbm.at[wid, c])

            @pl.when(jnp.logical_not(even))
            def _():
                pltpu.make_async_copy(table_hbm.at[idx_v.at[c]], rows1, sem1).wait()

                @pl.when(c + 1 < n_chunks)
                def _():
                    pltpu.async_copy(table_hbm.at[idx_v.at[c + 1]], rows0, sem0)

                pltpu.sync_copy(rows1, out_hbm.at[wid, c])

            return _

        lax.fori_loop(0, n_chunks, body, None)

    return gather_kernel(table, idx3d)


def _rerank_body(x1_ref, q_ref, rt_ref, rerank_ref, score_ref, pre_ref, xdba_ref):
    x1 = x1_ref[0][:, 0:_D]
    g = lax.dot_general(x1, x1, (((1,), (1,)), ((), ())),
                        preferred_element_type=jnp.float32)
    iota_l = lax.broadcasted_iota(jnp.int32, (_M, _M), 1)
    iota_s = lax.broadcasted_iota(jnp.int32, (_M, _M), 0)

    h0 = x1.astype(jnp.bfloat16).astype(jnp.float32)
    r1 = x1 - h0
    h1 = r1.astype(jnp.bfloat16).astype(jnp.float32)
    h2 = r1 - h1

    acc = jnp.zeros((_M, _D), jnp.float32)
    den = jnp.zeros((_M, 1), jnp.float32)
    for k in range(_K):
        mval = jnp.max(g, axis=1, keepdims=True)
        idx = jnp.min(jnp.where(g == mval, iota_l, _M), axis=1, keepdims=True)
        onehot = iota_l == idx
        oh = onehot.astype(jnp.float32)
        sel = (lax.dot_general(oh, h0, (((1,), (0,)), ((), ())),
                               preferred_element_type=jnp.float32)
               + lax.dot_general(oh, h1, (((1,), (0,)), ((), ())),
                                 preferred_element_type=jnp.float32)
               + lax.dot_general(oh, h2, (((1,), (0,)), ((), ())),
                                 preferred_element_type=jnp.float32))
        if k == 0:
            w = jnp.ones((_M, 1), jnp.float32)
            acc = sel
            den = w
        else:
            w = _BETA * mval
            acc = acc + sel * w
            den = den + w
        g = jnp.where(onehot, -jnp.inf, g)

    xd = acc * (1.0 / den)
    xdba_ref[0] = xd

    q2 = q_ref[0]
    qrep = jnp.broadcast_to(q2, (8, _D))
    s8 = lax.dot_general(xd, qrep, (((1,), (1,)), ((), ())),
                         preferred_element_type=jnp.float32)
    s_col = s8[:, 0:1]
    s_row = jnp.transpose(s_col, (1, 0))
    score_ref[0] = s_row

    s_bj = jnp.broadcast_to(s_row, (_M, _M))
    s_bi = jnp.broadcast_to(s_col, (_M, _M))
    gt = (s_bj > s_bi).astype(jnp.int32)
    eq = jnp.logical_and(s_bj == s_bi, iota_l < iota_s).astype(jnp.int32)
    rank = jnp.sum(gt + eq, axis=1, keepdims=True)

    p_mat = rank == iota_l
    pre_ref[0] = jnp.sum(jnp.where(p_mat, iota_s, 0), axis=0, keepdims=True)
    rt_col = jnp.transpose(rt_ref[0], (1, 0))
    rt_b = jnp.broadcast_to(rt_col, (_M, _M))
    rerank_ref[0] = jnp.sum(jnp.where(p_mat, rt_b, 0), axis=0, keepdims=True)


def _tc_rerank(x1, q3, rt3):
    out_shapes = (
        jax.ShapeDtypeStruct((_NQ, 1, _M), jnp.int32),
        jax.ShapeDtypeStruct((_NQ, 1, _M), jnp.float32),
        jax.ShapeDtypeStruct((_NQ, 1, _M), jnp.int32),
        jax.ShapeDtypeStruct((_NQ, _M, _D), jnp.float32),
    )
    return pl.pallas_call(
        _rerank_body,
        grid=(_NQ,),
        in_specs=[
            pl.BlockSpec((1, _M, _DP), lambda i: (i, 0, 0)),
            pl.BlockSpec((1, 1, _D), lambda i: (i, 0, 0)),
            pl.BlockSpec((1, 1, _M), lambda i: (i, 0, 0)),
        ],
        out_specs=(
            pl.BlockSpec((1, 1, _M), lambda i: (i, 0, 0)),
            pl.BlockSpec((1, 1, _M), lambda i: (i, 0, 0)),
            pl.BlockSpec((1, 1, _M), lambda i: (i, 0, 0)),
            pl.BlockSpec((1, _M, _D), lambda i: (i, 0, 0)),
        ),
        out_shape=out_shapes,
        compiler_params=pltpu.CompilerParams(
            dimension_semantics=("parallel",),
        ),
    )(x1, q3, rt3)


def kernel(X, Q, ranks):
    rt = jnp.transpose(ranks[:_M, :])
    n_workers = 32
    total = _NQ * _M
    n_chunks = total // (n_workers * _CH)
    idx3d = rt.reshape(n_workers, n_chunks, _CH)
    x_pad = jnp.pad(X, ((0, 0), (0, _DP - _D)))
    x1 = _sc_gather(x_pad, idx3d, n_workers, n_chunks).reshape(_NQ, _M, _DP)
    rerank3, score3, pre3, xdba = _tc_rerank(
        x1, Q.reshape(_NQ, 1, _D), rt.reshape(_NQ, 1, _M))
    return (rerank3.reshape(_NQ, _M), score3.reshape(_NQ, _M),
            pre3.reshape(_NQ, _M), xdba)

# --- scband reference (transcript-rebuilt; emitter-appended) ---
"""Pipeline reference for scband-mdesc-aug-25718264169168 (READ-ONLY COPY).

The authoritative reference and input builder live on the scoring server;
editing this copy changes nothing except your own understanding.
"""

import jax, jax.numpy as jnp
import numpy as np

M = 400
K = 10  # K+1 in module terms (init K=9)
BETA = 0.15
N_DB = 100000
N_Q = 256
D = 64

def setup_inputs(seed: int = 0) -> dict:
    key = jax.random.key(seed)
    k1, k2, k3 = jax.random.split(key, 3)
    X = jax.random.normal(k1, (N_DB, D), dtype=jnp.float32)
    Q = jax.random.normal(k2, (N_Q, D), dtype=jnp.float32)
    ranks = jax.random.randint(k3, (N_DB, N_Q), 0, N_DB, dtype=jnp.int32)
    return {"X": X, "Q": Q, "ranks": ranks}

def reference(X, Q, ranks):
    # ranks: [N_DB, N_Q] -> transpose and keep top-M per query
    ranks_trans_1000 = jnp.transpose(ranks, (1, 0))[:, :M]  # [N_Q, M]
    X_tensor1 = X[ranks_trans_1000]                          # gather: [N_Q, M, D]
    res_ie = jnp.einsum('abc,adc->abd', X_tensor1, X_tensor1)  # [N_Q, M, M]
    res_ie_ranks = jnp.argsort(-res_ie, axis=-1)[:, :, :K][..., None]      # [N_Q, M, K, 1]
    res_ie_ranks_value = (-jnp.sort(-res_ie, axis=-1)[:, :, :K])[..., None]  # [N_Q, M, K, 1]
    res_ie_ranks_value = res_ie_ranks_value.at[:, :, 1:, :].multiply(BETA)
    res_ie_ranks_value = res_ie_ranks_value.at[:, :, 0:1, :].set(1.0)
    res_ie_ranks_sq = jnp.squeeze(res_ie_ranks, -1)          # [N_Q, M, K]
    x_dba = X[ranks_trans_1000]                              # [N_Q, M, D]
    qn = x_dba.shape[0]
    # per-query gather: j[i] for (i, j) in zip(res_ie_ranks_sq, x_dba)
    x_dba_g = x_dba[jnp.arange(qn)[:, None, None], res_ie_ranks_sq]  # [N_Q, M, K, D]
    x_dba = jnp.sum(x_dba_g * res_ie_ranks_value, axis=2) / jnp.sum(res_ie_ranks_value, axis=2)  # [N_Q, M, D]
    res_top1000_dba = jnp.einsum('ac,adc->ad', Q, x_dba)     # [N_Q, M]
    ranks_trans_1000_pre = jnp.argsort(-res_top1000_dba, axis=-1)  # [N_Q, M]
    rerank_dba_final = jnp.take_along_axis(ranks_trans_1000, ranks_trans_1000_pre, axis=1)  # [N_Q, M]
    return (rerank_dba_final, res_top1000_dba, ranks_trans_1000_pre, x_dba)

if __name__ == "__main__":
    import jax
    _d = setup_inputs()
    print(jax.jit(kernel)(*tuple(_d.values())))

</pallas_src>

<mosaic_0001>
#map = affine_map<(d0, d1) -> (0, 0)>
#map1 = affine_map<(d0, d1) -> (0, 0, 0)>
#map2 = affine_map<(d0, d1) -> (0, 0, 0, 0)>
module attributes {stable_mosaic.version = 14 : i64} {
  func.func @gather_kernel(%arg0: i32, %arg1: i32, %arg2: memref<100000x128xf32, #tpu.memory_space<hbm>>, %arg3: memref<32x25x128xi32, #tpu.memory_space<hbm>>, %arg4: memref<32x25x128x128xf32, #tpu.memory_space<hbm>>, %arg5: memref<25x128xi32, #tpu.memory_space<vmem>>, %arg6: memref<128x128xf32, #tpu.memory_space<vmem>>, %arg7: memref<128x128xf32, #tpu.memory_space<vmem>>, %arg8: memref<!tpu.dma_semaphore, #tpu.memory_space<semaphore_mem>>, %arg9: memref<!tpu.dma_semaphore, #tpu.memory_space<semaphore_mem>>) attributes {dimension_semantics = [#tpu.dimension_semantics<core_parallel>, #tpu.dimension_semantics<subcore_parallel>], iteration_bounds = array<i64: 2, 16>, scalar_prefetch = 0 : i64, scratch_operands = 5 : i64, tpu.core_type = #tpu.core_type<sc_vector_subcore>, window_params = [{transform_indices = #map}, {transform_indices = #map1}, {transform_indices = #map2}]} {
    %mul3A = arith.constant 2 : i32
    %mul3A_0 = arith.muli %arg1, %mul3A : i32
    %add3A = arith.addi %mul3A_0, %arg0 : i32
    "tpu.region"() ({
      %run_scoped3A = tpu.sem_alloc : memref<!tpu.dma_semaphore, #tpu.memory_space<semaphore_mem>>
      %dma_start3A_11 = arith.constant 0 : i32
      %dma_start3A_12 = arith.constant 0 : i32
      %dma_start3A_13 = tpu.memref_slice %arg3[%add3A, %dma_start3A_11, %dma_start3A_12] : memref<32x25x128xi32, #tpu.memory_space<hbm>> -> memref<1x25x128xi32, #tpu.memory_space<hbm>>
      %dma_start3A_14 = tpu.memref_squeeze %dma_start3A_13 : memref<1x25x128xi32, #tpu.memory_space<hbm>> -> memref<25x128xi32, #tpu.memory_space<hbm>>
      %dma_start3A_15 = arith.constant 0 : i32
      %dma_start3A_16 = arith.constant 0 : i32
      %dma_start3A_17 = tpu.memref_slice %arg3[%add3A, %dma_start3A_15, %dma_start3A_16] : memref<32x25x128xi32, #tpu.memory_space<hbm>> -> memref<1x25x128xi32, #tpu.memory_space<hbm>>
      %dma_start3A_18 = tpu.memref_squeeze %dma_start3A_17 : memref<1x25x128xi32, #tpu.memory_space<hbm>> -> memref<25x128xi32, #tpu.memory_space<hbm>>
      tpu.enqueue_dma source(%dma_start3A_18 : memref<25x128xi32, #tpu.memory_space<hbm>>) target(%arg5 : memref<25x128xi32, #tpu.memory_space<vmem>>) target_semaphore(%run_scoped3A : memref<!tpu.dma_semaphore, #tpu.memory_space<semaphore_mem>>)
      %dma_wait3A = arith.constant 0 : i32
      %dma_wait3A_19 = arith.constant 0 : i32
      %dma_wait3A_20 = tpu.memref_slice %arg3[%add3A, %dma_wait3A, %dma_wait3A_19] : memref<32x25x128xi32, #tpu.memory_space<hbm>> -> memref<1x25x128xi32, #tpu.memory_space<hbm>>
      %dma_wait3A_21 = tpu.memref_squeeze %dma_wait3A_20 : memref<1x25x128xi32, #tpu.memory_space<hbm>> -> memref<25x128xi32, #tpu.memory_space<hbm>>
      %dma_wait3A_22 = arith.constant 0 : i32
      %dma_wait3A_23 = arith.constant 0 : i32
      %dma_wait3A_24 = tpu.memref_slice %arg3[%add3A, %dma_wait3A_22, %dma_wait3A_23] : memref<32x25x128xi32, #tpu.memory_space<hbm>> -> memref<1x25x128xi32, #tpu.memory_space<hbm>>
      %dma_wait3A_25 = tpu.memref_squeeze %dma_wait3A_24 : memref<1x25x128xi32, #tpu.memory_space<hbm>> -> memref<25x128xi32, #tpu.memory_space<hbm>>
      tpu.wait_dma2 semaphore(%run_scoped3A : memref<!tpu.dma_semaphore, #tpu.memory_space<semaphore_mem>>) src(%dma_wait3A_25 : memref<25x128xi32, #tpu.memory_space<hbm>>) dst(%arg5 : memref<25x128xi32, #tpu.memory_space<vmem>>)
      tpu.yield
    }) : () -> ()
    %dma_start3A = arith.constant 0 : i32
    %dma_start3A_1 = arith.constant 0 : i32
    %dma_start3A_2 = tpu.memref_slice %arg5[%dma_start3A, %dma_start3A_1] : memref<25x128xi32, #tpu.memory_space<vmem>> -> memref<1x128xi32, #tpu.memory_space<vmem>>
    %dma_start3A_3 = tpu.memref_squeeze %dma_start3A_2 : memref<1x128xi32, #tpu.memory_space<vmem>> -> memref<128xi32, #tpu.memory_space<vmem>>
    %dma_start3A_4 = arith.constant 0 : i32
    %dma_start3A_5 = arith.constant 0 : i32
    %dma_start3A_6 = tpu.memref_slice %arg2[%dma_start3A_4, %dma_start3A_5] : memref<100000x128xf32, #tpu.memory_space<hbm>> -> memref<100000x128xf32, #tpu.memory_space<hbm>>
    tpu.enqueue_indirect_dma source(%dma_start3A_6 : memref<100000x128xf32, #tpu.memory_space<hbm>>) target(%arg6 : memref<128x128xf32, #tpu.memory_space<vmem>>) offsets(%dma_start3A_3 : memref<128xi32, #tpu.memory_space<vmem>>) semaphore(%arg8 : memref<!tpu.dma_semaphore, #tpu.memory_space<semaphore_mem>>)
    %scan3A = arith.constant 0 : i32
    %scan3A_7 = arith.constant 25 : i32
    %scan3A_8 = arith.addi %scan3A, %scan3A_7 : i32
    %scan3A_9 = arith.constant 1 : i32
    scf.for %scan3A_11 = %scan3A to %scan3A_8 step %scan3A_9  : i32 {
      %rem3A = arith.constant 2 : i32
      %rem3A_12 = arith.remsi %scan3A_11, %rem3A : i32
      %eq3A = arith.constant 0 : i32
      %eq3A_13 = arith.cmpi eq, %rem3A_12, %eq3A : i32
      %convert_element_type3A = arith.extui %eq3A_13 : i1 to i32
      %cond3A = arith.constant 0 : i32
      %cond3A_14 = arith.cmpi ne, %convert_element_type3A, %cond3A : i32
      scf.if %cond3A_14 {
        %dma_wait3A = arith.constant 0 : i32
        %dma_wait3A_19 = tpu.memref_slice %arg5[%scan3A_11, %dma_wait3A] : memref<25x128xi32, #tpu.memory_space<vmem>> -> memref<1x128xi32, #tpu.memory_space<vmem>>
        %dma_wait3A_20 = tpu.memref_squeeze %dma_wait3A_19 : memref<1x128xi32, #tpu.memory_space<vmem>> -> memref<128xi32, #tpu.memory_space<vmem>>
        %dma_wait3A_21 = arith.constant 0 : i32
        %dma_wait3A_22 = arith.constant 0 : i32
        %dma_wait3A_23 = tpu.memref_slice %arg2[%dma_wait3A_21, %dma_wait3A_22] : memref<100000x128xf32, #tpu.memory_space<hbm>> -> memref<100000x128xf32, #tpu.memory_space<hbm>>
        tpu.wait_indirect_dma semaphore(%arg8 : memref<!tpu.dma_semaphore, #tpu.memory_space<semaphore_mem>>) src(%dma_wait3A_23 : memref<100000x128xf32, #tpu.memory_space<hbm>>) dst(%arg6 : memref<128x128xf32, #tpu.memory_space<vmem>>)
        %add3A_24 = arith.constant 1 : i32
        %add3A_25 = arith.addi %scan3A_11, %add3A_24 : i32
        %lt3A = arith.constant 25 : i32
        %lt3A_26 = arith.cmpi slt, %add3A_25, %lt3A : i32
        %convert_element_type3A_27 = arith.extui %lt3A_26 : i1 to i32
        %cond3A_28 = arith.constant 0 : i32
        %cond3A_29 = arith.cmpi ne, %convert_element_type3A_27, %cond3A_28 : i32
        scf.if %cond3A_29 {
          %add3A_30 = arith.constant 1 : i32
          %add3A_31 = arith.addi %scan3A_11, %add3A_30 : i32
          %dma_start3A_32 = arith.constant 0 : i32
          %dma_start3A_33 = tpu.memref_slice %arg5[%add3A_31, %dma_start3A_32] : memref<25x128xi32, #tpu.memory_space<vmem>> -> memref<1x128xi32, #tpu.memory_space<vmem>>
          %dma_start3A_34 = tpu.memref_squeeze %dma_start3A_33 : memref<1x128xi32, #tpu.memory_space<vmem>> -> memref<128xi32, #tpu.memory_space<vmem>>
          %dma_start3A_35 = arith.constant 0 : i32
          %dma_start3A_36 = arith.constant 0 : i32
          %dma_start3A_37 = tpu.memref_slice %arg2[%dma_start3A_35, %dma_start3A_36] : memref<100000x128xf32, #tpu.memory_space<hbm>> -> memref<100000x128xf32, #tpu.memory_space<hbm>>
          tpu.enqueue_indirect_dma source(%dma_start3A_37 : memref<100000x128xf32, #tpu.memory_space<hbm>>) target(%arg7 : memref<128x128xf32, #tpu.memory_space<vmem>>) offsets(%dma_start3A_34 : memref<128xi32, #tpu.memory_space<vmem>>) semaphore(%arg9 : memref<!tpu.dma_semaphore, #tpu.memory_space<semaphore_mem>>)
        } else {
        }
        "tpu.region"() ({
          %run_scoped3A = tpu.sem_alloc : memref<!tpu.dma_semaphore, #tpu.memory_space<semaphore_mem>>
          %dma_start3A_30 = arith.constant 0 : i32
          %dma_start3A_31 = arith.constant 0 : i32
          %dma_start3A_32 = tpu.memref_slice %arg4[%add3A, %scan3A_11, %dma_start3A_30, %dma_start3A_31] : memref<32x25x128x128xf32, #tpu.memory_space<hbm>> -> memref<1x1x128x128xf32, #tpu.memory_space<hbm>>
          %dma_start3A_33 = tpu.memref_squeeze %dma_start3A_32 : memref<1x1x128x128xf32, #tpu.memory_space<hbm>> -> memref<128x128xf32, #tpu.memory_space<hbm>>
          %dma_start3A_34 = arith.constant 0 : i32
          %dma_start3A_35 = arith.constant 0 : i32
          %dma_start3A_36 = tpu.memref_slice %arg4[%add3A, %scan3A_11, %dma_start3A_34, %dma_start3A_35] : memref<32x25x128x128xf32, #tpu.memory_space<hbm>> -> memref<1x1x128x128xf32, #tpu.memory_space<hbm>>
          %dma_start3A_37 = tpu.memref_squeeze %dma_start3A_36 : memref<1x1x128x128xf32, #tpu.memory_space<hbm>> -> memref<128x128xf32, #tpu.memory_space<hbm>>
          tpu.enqueue_dma source(%arg6 : memref<128x128xf32, #tpu.memory_space<vmem>>) target(%dma_start3A_37 : memref<128x128xf32, #tpu.memory_space<hbm>>) target_semaphore(%run_scoped3A : memref<!tpu.dma_semaphore, #tpu.memory_space<semaphore_mem>>)
          %dma_wait3A_38 = arith.constant 0 : i32
          %dma_wait3A_39 = arith.constant 0 : i32
          %dma_wait3A_40 = tpu.memref_slice %arg4[%add3A, %scan3A_11, %dma_wait3A_38, %dma_wait3A_39] : memref<32x25x128x128xf32, #tpu.memory_space<hbm>> -> memref<1x1x128x128xf32, #tpu.memory_space<hbm>>
          %dma_wait3A_41 = tpu.memref_squeeze %dma_wait3A_40 : memref<1x1x128x128xf32, #tpu.memory_space<hbm>> -> memref<128x128xf32, #tpu.memory_space<hbm>>
          %dma_wait3A_42 = arith.constant 0 : i32
          %dma_wait3A_43 = arith.constant 0 : i32
          %dma_wait3A_44 = tpu.memref_slice %arg4[%add3A, %scan3A_11, %dma_wait3A_42, %dma_wait3A_43] : memref<32x25x128x128xf32, #tpu.memory_space<hbm>> -> memref<1x1x128x128xf32, #tpu.memory_space<hbm>>
          %dma_wait3A_45 = tpu.memref_squeeze %dma_wait3A_44 : memref<1x1x128x128xf32, #tpu.memory_space<hbm>> -> memref<128x128xf32, #tpu.memory_space<hbm>>
          tpu.wait_dma2 semaphore(%run_scoped3A : memref<!tpu.dma_semaphore, #tpu.memory_space<semaphore_mem>>) src(%arg6 : memref<128x128xf32, #tpu.memory_space<vmem>>) dst(%dma_wait3A_45 : memref<128x128xf32, #tpu.memory_space<hbm>>)
          tpu.yield
        }) : () -> ()
      } else {
      }
      %not3A = arith.constant true
      %not3A_15 = arith.xori %eq3A_13, %not3A : i1
      %convert_element_type3A_16 = arith.extui %not3A_15 : i1 to i32
      %cond3A_17 = arith.constant 0 : i32
      %cond3A_18 = arith.cmpi ne, %convert_element_type3A_16, %cond3A_17 : i32
      scf.if %cond3A_18 {
        %dma_wait3A = arith.constant 0 : i32
        %dma_wait3A_19 = tpu.memref_slice %arg5[%scan3A_11, %dma_wait3A] : memref<25x128xi32, #tpu.memory_space<vmem>> -> memref<1x128xi32, #tpu.memory_space<vmem>>
        %dma_wait3A_20 = tpu.memref_squeeze %dma_wait3A_19 : memref<1x128xi32, #tpu.memory_space<vmem>> -> memref<128xi32, #tpu.memory_space<vmem>>
        %dma_wait3A_21 = arith.constant 0 : i32
        %dma_wait3A_22 = arith.constant 0 : i32
        %dma_wait3A_23 = tpu.memref_slice %arg2[%dma_wait3A_21, %dma_wait3A_22] : memref<100000x128xf32, #tpu.memory_space<hbm>> -> memref<100000x128xf32, #tpu.memory_space<hbm>>
        tpu.wait_indirect_dma semaphore(%arg9 : memref<!tpu.dma_semaphore, #tpu.memory_space<semaphore_mem>>) src(%dma_wait3A_23 : memref<100000x128xf32, #tpu.memory_space<hbm>>) dst(%arg7 : memref<128x128xf32, #tpu.memory_space<vmem>>)
        %add3A_24 = arith.constant 1 : i32
        %add3A_25 = arith.addi %scan3A_11, %add3A_24 : i32
        %lt3A = arith.constant 25 : i32
        %lt3A_26 = arith.cmpi slt, %add3A_25, %lt3A : i32
        %convert_element_type3A_27 = arith.extui %lt3A_26 : i1 to i32
        %cond3A_28 = arith.constant 0 : i32
        %cond3A_29 = arith.cmpi ne, %convert_element_type3A_27, %cond3A_28 : i32
        scf.if %cond3A_29 {
          %add3A_30 = arith.constant 1 : i32
          %add3A_31 = arith.addi %scan3A_11, %add3A_30 : i32
          %dma_start3A_32 = arith.constant 0 : i32
          %dma_start3A_33 = tpu.memref_slice %arg5[%add3A_31, %dma_start3A_32] : memref<25x128xi32, #tpu.memory_space<vmem>> -> memref<1x128xi32, #tpu.memory_space<vmem>>
          %dma_start3A_34 = tpu.memref_squeeze %dma_start3A_33 : memref<1x128xi32, #tpu.memory_space<vmem>> -> memref<128xi32, #tpu.memory_space<vmem>>
          %dma_start3A_35 = arith.constant 0 : i32
          %dma_start3A_36 = arith.constant 0 : i32
          %dma_start3A_37 = tpu.memref_slice %arg2[%dma_start3A_35, %dma_start3A_36] : memref<100000x128xf32, #tpu.memory_space<hbm>> -> memref<100000x128xf32, #tpu.memory_space<hbm>>
          tpu.enqueue_indirect_dma source(%dma_start3A_37 : memref<100000x128xf32, #tpu.memory_space<hbm>>) target(%arg6 : memref<128x128xf32, #tpu.memory_space<vmem>>) offsets(%dma_start3A_34 : memref<128xi32, #tpu.memory_space<vmem>>) semaphore(%arg8 : memref<!tpu.dma_semaphore, #tpu.memory_space<semaphore_mem>>)
        } else {
        }
        "tpu.region"() ({
          %run_scoped3A = tpu.sem_alloc : memref<!tpu.dma_semaphore, #tpu.memory_space<semaphore_mem>>
          %dma_start3A_30 = arith.constant 0 : i32
          %dma_start3A_31 = arith.constant 0 : i32
          %dma_start3A_32 = tpu.memref_slice %arg4[%add3A, %scan3A_11, %dma_start3A_30, %dma_start3A_31] : memref<32x25x128x128xf32, #tpu.memory_space<hbm>> -> memref<1x1x128x128xf32, #tpu.memory_space<hbm>>
          %dma_start3A_33 = tpu.memref_squeeze %dma_start3A_32 : memref<1x1x128x128xf32, #tpu.memory_space<hbm>> -> memref<128x128xf32, #tpu.memory_space<hbm>>
          %dma_start3A_34 = arith.constant 0 : i32
          %dma_start3A_35 = arith.constant 0 : i32
          %dma_start3A_36 = tpu.memref_slice %arg4[%add3A, %scan3A_11, %dma_start3A_34, %dma_start3A_35] : memref<32x25x128x128xf32, #tpu.memory_space<hbm>> -> memref<1x1x128x128xf32, #tpu.memory_space<hbm>>
          %dma_start3A_37 = tpu.memref_squeeze %dma_start3A_36 : memref<1x1x128x128xf32, #tpu.memory_space<hbm>> -> memref<128x128xf32, #tpu.memory_space<hbm>>
          tpu.enqueue_dma source(%arg7 : memref<128x128xf32, #tpu.memory_space<vmem>>) target(%dma_start3A_37 : memref<128x128xf32, #tpu.memory_space<hbm>>) target_semaphore(%run_scoped3A : memref<!tpu.dma_semaphore, #tpu.memory_space<semaphore_mem>>)
          %dma_wait3A_38 = arith.constant 0 : i32
          %dma_wait3A_39 = arith.constant 0 : i32
          %dma_wait3A_40 = tpu.memref_slice %arg4[%add3A, %scan3A_11, %dma_wait3A_38, %dma_wait3A_39] : memref<32x25x128x128xf32, #tpu.memory_space<hbm>> -> memref<1x1x128x128xf32, #tpu.memory_space<hbm>>
          %dma_wait3A_41 = tpu.memref_squeeze %dma_wait3A_40 : memref<1x1x128x128xf32, #tpu.memory_space<hbm>> -> memref<128x128xf32, #tpu.memory_space<hbm>>
          %dma_wait3A_42 = arith.constant 0 : i32
          %dma_wait3A_43 = arith.constant 0 : i32
          %dma_wait3A_44 = tpu.memref_slice %arg4[%add3A, %scan3A_11, %dma_wait3A_42, %dma_wait3A_43] : memref<32x25x128x128xf32, #tpu.memory_space<hbm>> -> memref<1x1x128x128xf32, #tpu.memory_space<hbm>>
          %dma_wait3A_45 = tpu.memref_squeeze %dma_wait3A_44 : memref<1x1x128x128xf32, #tpu.memory_space<hbm>> -> memref<128x128xf32, #tpu.memory_space<hbm>>
          tpu.wait_dma2 semaphore(%run_scoped3A : memref<!tpu.dma_semaphore, #tpu.memory_space<semaphore_mem>>) src(%arg7 : memref<128x128xf32, #tpu.memory_space<vmem>>) dst(%dma_wait3A_45 : memref<128x128xf32, #tpu.memory_space<hbm>>)
          tpu.yield
        }) : () -> ()
      } else {
      }
    }
    %scan3A_10 = arith.constant 25 : i32
    return
  }
}

module attributes {stable_mosaic.version = 14 : i64} {
  func.func @_rerank_body(%arg0: i32, %arg1: memref<1x400x128xf32, #tpu.memory_space<vmem>>, %arg2: memref<1x1x64xf32, #tpu.memory_space<vmem>>, %arg3: memref<1x1x400xi32, #tpu.memory_space<vmem>>, %arg4: memref<1x1x400xi32, #tpu.memory_space<vmem>>, %arg5: memref<1x1x400xf32, #tpu.memory_space<vmem>>, %arg6: memref<1x1x400xi32, #tpu.memory_space<vmem>>, %arg7: memref<1x400x64xf32, #tpu.memory_space<vmem>>) attributes {dimension_semantics = [#tpu.dimension_semantics<parallel>], iteration_bounds = array<i64: 256>, scalar_prefetch = 0 : i64, scratch_operands = 0 : i64, tpu.core_type = #tpu.core_type<tc>, window_params = [{transform_indices = @transform_0, window_bounds = array<i64: 1, 400, 128>}, {transform_indices = @transform_1, window_bounds = array<i64: 1, 1, 64>}, {transform_indices = @transform_2, window_bounds = array<i64: 1, 1, 400>}, {transform_indices = @transform_3, window_bounds = array<i64: 1, 1, 400>}, {transform_indices = @transform_4, window_bounds = array<i64: 1, 1, 400>}, {transform_indices = @transform_5, window_bounds = array<i64: 1, 1, 400>}, {transform_indices = @transform_6, window_bounds = array<i64: 1, 400, 64>}]} {
    %get3A = arith.constant 0 : index
    %get3A_0 = arith.constant 0 : index
    %get3A_1 = arith.constant 0 : index
    %get3A_2 = vector.load %arg1[%get3A, %get3A_0, %get3A_1] : memref<1x400x128xf32, #tpu.memory_space<vmem>>, vector<1x400x128xf32>
    %get3A_3 = vector.shape_cast %get3A_2 : vector<1x400x128xf32> to vector<400x128xf32>
    %slice3A = vector.extract_strided_slice %get3A_3 {offsets = [0, 0], sizes = [400, 64], strides = [1, 1]} : vector<400x128xf32> to vector<400x64xf32>
    %dot_general3A = arith.constant dense<0.000000e+00> : vector<400x400xf32>
    %dot_general3A_4 = tpu.matmul %slice3A, %slice3A, %dot_general3A {dimension_numbers = #tpu.dot_dimension_numbers<[1], [1], [0], [0], [0, 0, 1, 0], [], []>, transpose_lhs_hint = false} : vector<400x64xf32>, vector<400x64xf32>, vector<400x400xf32> -> vector<400x400xf32>
    %iota3A = tpu.iota {dimensions = array<i32: 1>} : vector<400x400xi32>
    %iota3A_5 = tpu.iota {dimensions = array<i32: 0>} : vector<400x400xi32>
    %convert_element_type3A = arith.truncf %slice3A : vector<400x64xf32> to vector<400x64xbf16>
    %convert_element_type3A_6 = arith.extf %convert_element_type3A : vector<400x64xbf16> to vector<400x64xf32>
    %sub3A = arith.subf %slice3A, %convert_element_type3A_6 : vector<400x64xf32>
    %convert_element_type3A_7 = arith.truncf %sub3A : vector<400x64xf32> to vector<400x64xbf16>
    %convert_element_type3A_8 = arith.extf %convert_element_type3A_7 : vector<400x64xbf16> to vector<400x64xf32>
    %sub3A_9 = arith.subf %sub3A, %convert_element_type3A_8 : vector<400x64xf32>
    %reduce_max3A = arith.constant dense<0xFF800000> : vector<400xf32>
    %reduce_max3A_10 = vector.multi_reduction <maximumf>, %dot_general3A_4, %reduce_max3A [1] : vector<400x400xf32> to vector<400xf32>
    %broadcast_in_dim3A = vector.shape_cast %reduce_max3A_10 : vector<400xf32> to vector<400x1xf32>
    %eq3A = vector.broadcast %broadcast_in_dim3A : vector<400x1xf32> to vector<400x400xf32>
    %eq3A_11 = arith.cmpf oeq, %dot_general3A_4, %eq3A : vector<400x400xf32>
    %jit3A = arith.constant 400 : i32
    %broadcast_in_dim3A_12 = vector.broadcast %jit3A : i32 to vector<400x400xi32>
    %select_n3A = arith.select %eq3A_11, %iota3A, %broadcast_in_dim3A_12 : vector<400x400xi1>, vector<400x400xi32>
    %reduce_min3A = arith.constant dense<2147483647> : vector<400xi32>
    %reduce_min3A_13 = vector.multi_reduction <minsi>, %select_n3A, %reduce_min3A [1] : vector<400x400xi32> to vector<400xi32>
    %broadcast_in_dim3A_14 = vector.shape_cast %reduce_min3A_13 : vector<400xi32> to vector<400x1xi32>
    %eq3A_15 = vector.broadcast %broadcast_in_dim3A_14 : vector<400x1xi32> to vector<400x400xi32>
    %eq3A_16 = arith.cmpi eq, %iota3A, %eq3A_15 : vector<400x400xi32>
    %convert_element_type3A_17 = arith.extui %eq3A_16 : vector<400x400xi1> to vector<400x400xi32>
    %convert_element_type3A_18 = arith.sitofp %convert_element_type3A_17 : vector<400x400xi32> to vector<400x400xf32>
    %dot_general3A_19 = arith.constant dense<0.000000e+00> : vector<400x64xf32>
    %dot_general3A_20 = tpu.matmul %convert_element_type3A_18, %convert_element_type3A_6, %dot_general3A_19 {dimension_numbers = #tpu.dot_dimension_numbers<[1], [0], [0], [1], [0, 0, 1, 1], [], []>, transpose_lhs_hint = false} : vector<400x400xf32>, vector<400x64xf32>, vector<400x64xf32> -> vector<400x64xf32>
    %dot_general3A_21 = arith.constant dense<0.000000e+00> : vector<400x64xf32>
    %dot_general3A_22 = tpu.matmul %convert_element_type3A_18, %convert_element_type3A_8, %dot_general3A_21 {dimension_numbers = #tpu.dot_dimension_numbers<[1], [0], [0], [1], [0, 0, 1, 1], [], []>, transpose_lhs_hint = false} : vector<400x400xf32>, vector<400x64xf32>, vector<400x64xf32> -> vector<400x64xf32>
    %add3A = arith.addf %dot_general3A_20, %dot_general3A_22 : vector<400x64xf32>
    %dot_general3A_23 = arith.constant dense<0.000000e+00> : vector<400x64xf32>
    %dot_general3A_24 = tpu.matmul %convert_element_type3A_18, %sub3A_9, %dot_general3A_23 {dimension_numbers = #tpu.dot_dimension_numbers<[1], [0], [0], [1], [0, 0, 1, 1], [], []>, transpose_lhs_hint = false} : vector<400x400xf32>, vector<400x64xf32>, vector<400x64xf32> -> vector<400x64xf32>
    %add3A_25 = arith.addf %add3A, %dot_general3A_24 : vector<400x64xf32>
    %broadcast_in_dim3A_26 = arith.constant 1.000000e+00 : f32
    %broadcast_in_dim3A_27 = vector.broadcast %broadcast_in_dim3A_26 : f32 to vector<400x1xf32>
    %jit3A_28 = arith.constant 0xFF800000 : f32
    %broadcast_in_dim3A_29 = vector.broadcast %jit3A_28 : f32 to vector<400x400xf32>
    %select_n3A_30 = arith.select %eq3A_16, %broadcast_in_dim3A_29, %dot_general3A_4 : vector<400x400xi1>, vector<400x400xf32>
    %reduce_max3A_31 = arith.constant dense<0xFF800000> : vector<400xf32>
    %reduce_max3A_32 = vector.multi_reduction <maximumf>, %select_n3A_30, %reduce_max3A_31 [1] : vector<400x400xf32> to vector<400xf32>
    %broadcast_in_dim3A_33 = vector.shape_cast %reduce_max3A_32 : vector<400xf32> to vector<400x1xf32>
    %eq3A_34 = vector.broadcast %broadcast_in_dim3A_33 : vector<400x1xf32> to vector<400x400xf32>
    %eq3A_35 = arith.cmpf oeq, %select_n3A_30, %eq3A_34 : vector<400x400xf32>
    %jit3A_36 = arith.constant 400 : i32
    %broadcast_in_dim3A_37 = vector.broadcast %jit3A_36 : i32 to vector<400x400xi32>
    %select_n3A_38 = arith.select %eq3A_35, %iota3A, %broadcast_in_dim3A_37 : vector<400x400xi1>, vector<400x400xi32>
    %reduce_min3A_39 = arith.constant dense<2147483647> : vector<400xi32>
    %reduce_min3A_40 = vector.multi_reduction <minsi>, %select_n3A_38, %reduce_min3A_39 [1] : vector<400x400xi32> to vector<400xi32>
    %broadcast_in_dim3A_41 = vector.shape_cast %reduce_min3A_40 : vector<400xi32> to vector<400x1xi32>
    %eq3A_42 = vector.broadcast %broadcast_in_dim3A_41 : vector<400x1xi32> to vector<400x400xi32>
    %eq3A_43 = arith.cmpi eq, %iota3A, %eq3A_42 : vector<400x400xi32>
    %convert_element_type3A_44 = arith.extui %eq3A_43 : vector<400x400xi1> to vector<400x400xi32>
    %convert_element_type3A_45 = arith.sitofp %convert_element_type3A_44 : vector<400x400xi32> to vector<400x400xf32>
    %dot_general3A_46 = arith.constant dense<0.000000e+00> : vector<400x64xf32>
    %dot_general3A_47 = tpu.matmul %convert_element_type3A_45, %convert_element_type3A_6, %dot_general3A_46 {dimension_numbers = #tpu.dot_dimension_numbers<[1], [0], [0], [1], [0, 0, 1, 1], [], []>, transpose_lhs_hint = false} : vector<400x400xf32>, vector<400x64xf32>, vector<400x64xf32> -> vector<400x64xf32>
    %dot_general3A_48 = arith.constant dense<0.000000e+00> : vector<400x64xf32>
    %dot_general3A_49 = tpu.matmul %convert_element_type3A_45, %convert_element_type3A_8, %dot_general3A_48 {dimension_numbers = #tpu.dot_dimension_numbers<[1], [0], [0], [1], [0, 0, 1, 1], [], []>, transpose_lhs_hint = false} : vector<400x400xf32>, vector<400x64xf32>, vector<400x64xf32> -> vector<400x64xf32>
    %add3A_50 = arith.addf %dot_general3A_47, %dot_general3A_49 : vector<400x64xf32>
    %dot_general3A_51 = arith.constant dense<0.000000e+00> : vector<400x64xf32>
    %dot_general3A_52 = tpu.matmul %convert_element_type3A_45, %sub3A_9, %dot_general3A_51 {dimension_numbers = #tpu.dot_dimension_numbers<[1], [0], [0], [1], [0, 0, 1, 1], [], []>, transpose_lhs_hint = false} : vector<400x400xf32>, vector<400x64xf32>, vector<400x64xf32> -> vector<400x64xf32>
    %add3A_53 = arith.addf %add3A_50, %dot_general3A_52 : vector<400x64xf32>
    %mul3A = arith.constant 1.500000e-01 : f32
    %mul3A_54 = vector.broadcast %mul3A : f32 to vector<400x1xf32>
    %mul3A_55 = arith.mulf %mul3A_54, %broadcast_in_dim3A_33 : vector<400x1xf32>
    %mul3A_56 = vector.broadcast %mul3A_55 : vector<400x1xf32> to vector<400x64xf32>
    %mul3A_57 = arith.mulf %add3A_53, %mul3A_56 : vector<400x64xf32>
    %add3A_58 = arith.addf %add3A_25, %mul3A_57 : vector<400x64xf32>
    %add3A_59 = arith.addf %broadcast_in_dim3A_27, %mul3A_55 : vector<400x1xf32>
    %jit3A_60 = arith.constant 0xFF800000 : f32
    %broadcast_in_dim3A_61 = vector.broadcast %jit3A_60 : f32 to vector<400x400xf32>
    %select_n3A_62 = arith.select %eq3A_43, %broadcast_in_dim3A_61, %select_n3A_30 : vector<400x400xi1>, vector<400x400xf32>
    %reduce_max3A_63 = arith.constant dense<0xFF800000> : vector<400xf32>
    %reduce_max3A_64 = vector.multi_reduction <maximumf>, %select_n3A_62, %reduce_max3A_63 [1] : vector<400x400xf32> to vector<400xf32>
    %broadcast_in_dim3A_65 = vector.shape_cast %reduce_max3A_64 : vector<400xf32> to vector<400x1xf32>
    %eq3A_66 = vector.broadcast %broadcast_in_dim3A_65 : vector<400x1xf32> to vector<400x400xf32>
    %eq3A_67 = arith.cmpf oeq, %select_n3A_62, %eq3A_66 : vector<400x400xf32>
    %jit3A_68 = arith.constant 400 : i32
    %broadcast_in_dim3A_69 = vector.broadcast %jit3A_68 : i32 to vector<400x400xi32>
    %select_n3A_70 = arith.select %eq3A_67, %iota3A, %broadcast_in_dim3A_69 : vector<400x400xi1>, vector<400x400xi32>
    %reduce_min3A_71 = arith.constant dense<2147483647> : vector<400xi32>
    %reduce_min3A_72 = vector.multi_reduction <minsi>, %select_n3A_70, %reduce_min3A_71 [1] : vector<400x400xi32> to vector<400xi32>
    %broadcast_in_dim3A_73 = vector.shape_cast %reduce_min3A_72 : vector<400xi32> to vector<400x1xi32>
    %eq3A_74 = vector.broadcast %broadcast_in_dim3A_73 : vector<400x1xi32> to vector<400x400xi32>
    %eq3A_75 = arith.cmpi eq, %iota3A, %eq3A_74 : vector<400x400xi32>
    %convert_element_type3A_76 = arith.extui %eq3A_75 : vector<400x400xi1> to vector<400x400xi32>
    %convert_element_type3A_77 = arith.sitofp %convert_element_type3A_76 : vector<400x400xi32> to vector<400x400xf32>
    %dot_general3A_78 = arith.constant dense<0.000000e+00> : vector<400x64xf32>
    %dot_general3A_79 = tpu.matmul %convert_element_type3A_77, %convert_element_type3A_6, %dot_general3A_78 {dimension_numbers = #tpu.dot_dimension_numbers<[1], [0], [0], [1], [0, 0, 1, 1], [], []>, transpose_lhs_hint = false} : vector<400x400xf32>, vector<400x64xf32>, vector<400x64xf32> -> vector<400x64xf32>
    %dot_general3A_80 = arith.constant dense<0.000000e+00> : vector<400x64xf32>
    %dot_general3A_81 = tpu.matmul %convert_element_type3A_77, %convert_element_type3A_8, %dot_general3A_80 {dimension_numbers = #tpu.dot_dimension_numbers<[1], [0], [0], [1], [0, 0, 1, 1], [], []>, transpose_lhs_hint = false} : vector<400x400xf32>, vector<400x64xf32>, vector<400x64xf32> -> vector<400x64xf32>
    %add3A_82 = arith.addf %dot_general3A_79, %dot_general3A_81 : vector<400x64xf32>
    %dot_general3A_83 = arith.constant dense<0.000000e+00> : vector<400x64xf32>
    %dot_general3A_84 = tpu.matmul %convert_element_type3A_77, %sub3A_9, %dot_general3A_83 {dimension_numbers = #tpu.dot_dimension_numbers<[1], [0], [0], [1], [0, 0, 1, 1], [], []>, transpose_lhs_hint = false} : vector<400x400xf32>, vector<400x64xf32>, vector<400x64xf32> -> vector<400x64xf32>
    %add3A_85 = arith.addf %add3A_82, %dot_general3A_84 : vector<400x64xf32>
    %mul3A_86 = arith.constant 1.500000e-01 : f32
    %mul3A_87 = vector.broadcast %mul3A_86 : f32 to vector<400x1xf32>
    %mul3A_88 = arith.mulf %mul3A_87, %broadcast_in_dim3A_65 : vector<400x1xf32>
    %mul3A_89 = vector.broadcast %mul3A_88 : vector<400x1xf32> to vector<400x64xf32>
    %mul3A_90 = arith.mulf %add3A_85, %mul3A_89 : vector<400x64xf32>
    %add3A_91 = arith.addf %add3A_58, %mul3A_90 : vector<400x64xf32>
    %add3A_92 = arith.addf %add3A_59, %mul3A_88 : vector<400x1xf32>
    %jit3A_93 = arith.constant 0xFF800000 : f32
    %broadcast_in_dim3A_94 = vector.broadcast %jit3A_93 : f32 to vector<400x400xf32>
    %select_n3A_95 = arith.select %eq3A_75, %broadcast_in_dim3A_94, %select_n3A_62 : vector<400x400xi1>, vector<400x400xf32>
    %reduce_max3A_96 = arith.constant dense<0xFF800000> : vector<400xf32>
    %reduce_max3A_97 = vector.multi_reduction <maximumf>, %select_n3A_95, %reduce_max3A_96 [1] : vector<400x400xf32> to vector<400xf32>
    %broadcast_in_dim3A_98 = vector.shape_cast %reduce_max3A_97 : vector<400xf32> to vector<400x1xf32>
    %eq3A_99 = vector.broadcast %broadcast_in_dim3A_98 : vector<400x1xf32> to vector<400x400xf32>
    %eq3A_100 = arith.cmpf oeq, %select_n3A_95, %eq3A_99 : vector<400x400xf32>
    %jit3A_101 = arith.constant 400 : i32
    %broadcast_in_dim3A_102 = vector.broadcast %jit3A_101 : i32 to vector<400x400xi32>
    %select_n3A_103 = arith.select %eq3A_100, %iota3A, %broadcast_in_dim3A_102 : vector<400x400xi1>, vector<400x400xi32>
    %reduce_min3A_104 = arith.constant dense<2147483647> : vector<400xi32>
    %reduce_min3A_105 = vector.multi_reduction <minsi>, %select_n3A_103, %reduce_min3A_104 [1] : vector<400x400xi32> to vector<400xi32>
    %broadcast_in_dim3A_106 = vector.shape_cast %reduce_min3A_105 : vector<400xi32> to vector<400x1xi32>
    %eq3A_107 = vector.broadcast %broadcast_in_dim3A_106 : vector<400x1xi32> to vector<400x400xi32>
    %eq3A_108 = arith.cmpi eq, %iota3A, %eq3A_107 : vector<400x400xi32>
    %convert_element_type3A_109 = arith.extui %eq3A_108 : vector<400x400xi1> to vector<400x400xi32>
    %convert_element_type3A_110 = arith.sitofp %convert_element_type3A_109 : vector<400x400xi32> to vector<400x400xf32>
    %dot_general3A_111 = arith.constant dense<0.000000e+00> : vector<400x64xf32>
    %dot_general3A_112 = tpu.matmul %convert_element_type3A_110, %convert_element_type3A_6, %dot_general3A_111 {dimension_numbers = #tpu.dot_dimension_numbers<[1], [0], [0], [1], [0, 0, 1, 1], [], []>, transpose_lhs_hint = false} : vector<400x400xf32>, vector<400x64xf32>, vector<400x64xf32> -> vector<400x64xf32>
    %dot_general3A_113 = arith.constant dense<0.000000e+00> : vector<400x64xf32>
    %dot_general3A_114 = tpu.matmul %convert_element_type3A_110, %convert_element_type3A_8, %dot_general3A_113 {dimension_numbers = #tpu.dot_dimension_numbers<[1], [0], [0], [1], [0, 0, 1, 1], [], []>, transpose_lhs_hint = false} : vector<400x400xf32>, vector<400x64xf32>, vector<400x64xf32> -> vector<400x64xf32>
    %add3A_115 = arith.addf %dot_general3A_112, %dot_general3A_114 : vector<400x64xf32>
    %dot_general3A_116 = arith.constant dense<0.000000e+00> : vector<400x64xf32>
    %dot_general3A_117 = tpu.matmul %convert_element_type3A_110, %sub3A_9, %dot_general3A_116 {dimension_numbers = #tpu.dot_dimension_numbers<[1], [0], [0], [1], [0, 0, 1, 1], [], []>, transpose_lhs_hint = false} : vector<400x400xf32>, vector<400x64xf32>, vector<400x64xf32> -> vector<400x64xf32>
    %add3A_118 = arith.addf %add3A_115, %dot_general3A_117 : vector<400x64xf32>
    %mul3A_119 = arith.constant 1.500000e-01 : f32
    %mul3A_120 = vector.broadcast %mul3A_119 : f32 to vector<400x1xf32>
    %mul3A_121 = arith.mulf %mul3A_120, %broadcast_in_dim3A_98 : vector<400x1xf32>
    %mul3A_122 = vector.broadcast %mul3A_121 : vector<400x1xf32> to vector<400x64xf32>
    %mul3A_123 = arith.mulf %add3A_118, %mul3A_122 : vector<400x64xf32>
    %add3A_124 = arith.addf %add3A_91, %mul3A_123 : vector<400x64xf32>
    %add3A_125 = arith.addf %add3A_92, %mul3A_121 : vector<400x1xf32>
    %jit3A_126 = arith.constant 0xFF800000 : f32
    %broadcast_in_dim3A_127 = vector.broadcast %jit3A_126 : f32 to vector<400x400xf32>
    %select_n3A_128 = arith.select %eq3A_108, %broadcast_in_dim3A_127, %select_n3A_95 : vector<400x400xi1>, vector<400x400xf32>
    %reduce_max3A_129 = arith.constant dense<0xFF800000> : vector<400xf32>
    %reduce_max3A_130 = vector.multi_reduction <maximumf>, %select_n3A_128, %reduce_max3A_129 [1] : vector<400x400xf32> to vector<400xf32>
    %broadcast_in_dim3A_131 = vector.shape_cast %reduce_max3A_130 : vector<400xf32> to vector<400x1xf32>
    %eq3A_132 = vector.broadcast %broadcast_in_dim3A_131 : vector<400x1xf32> to vector<400x400xf32>
    %eq3A_133 = arith.cmpf oeq, %select_n3A_128, %eq3A_132 : vector<400x400xf32>
    %jit3A_134 = arith.constant 400 : i32
    %broadcast_in_dim3A_135 = vector.broadcast %jit3A_134 : i32 to vector<400x400xi32>
    %select_n3A_136 = arith.select %eq3A_133, %iota3A, %broadcast_in_dim3A_135 : vector<400x400xi1>, vector<400x400xi32>
    %reduce_min3A_137 = arith.constant dense<2147483647> : vector<400xi32>
    %reduce_min3A_138 = vector.multi_reduction <minsi>, %select_n3A_136, %reduce_min3A_137 [1] : vector<400x400xi32> to vector<400xi32>
    %broadcast_in_dim3A_139 = vector.shape_cast %reduce_min3A_138 : vector<400xi32> to vector<400x1xi32>
    %eq3A_140 = vector.broadcast %broadcast_in_dim3A_139 : vector<400x1xi32> to vector<400x400xi32>
    %eq3A_141 = arith.cmpi eq, %iota3A, %eq3A_140 : vector<400x400xi32>
    %convert_element_type3A_142 = arith.extui %eq3A_141 : vector<400x400xi1> to vector<400x400xi32>
    %convert_element_type3A_143 = arith.sitofp %convert_element_type3A_142 : vector<400x400xi32> to vector<400x400xf32>
    %dot_general3A_144 = arith.constant dense<0.000000e+00> : vector<400x64xf32>
    %dot_general3A_145 = tpu.matmul %convert_element_type3A_143, %convert_element_type3A_6, %dot_general3A_144 {dimension_numbers = #tpu.dot_dimension_numbers<[1], [0], [0], [1], [0, 0, 1, 1], [], []>, transpose_lhs_hint = false} : vector<400x400xf32>, vector<400x64xf32>, vector<400x64xf32> -> vector<400x64xf32>
    %dot_general3A_146 = arith.constant dense<0.000000e+00> : vector<400x64xf32>
    %dot_general3A_147 = tpu.matmul %convert_element_type3A_143, %convert_element_type3A_8, %dot_general3A_146 {dimension_numbers = #tpu.dot_dimension_numbers<[1], [0], [0], [1], [0, 0, 1, 1], [], []>, transpose_lhs_hint = false} : vector<400x400xf32>, vector<400x64xf32>, vector<400x64xf32> -> vector<400x64xf32>
    %add3A_148 = arith.addf %dot_general3A_145, %dot_general3A_147 : vector<400x64xf32>
    %dot_general3A_149 = arith.constant dense<0.000000e+00> : vector<400x64xf32>
    %dot_general3A_150 = tpu.matmul %convert_element_type3A_143, %sub3A_9, %dot_general3A_149 {dimension_numbers = #tpu.dot_dimension_numbers<[1], [0], [0], [1], [0, 0, 1, 1], [], []>, transpose_lhs_hint = false} : vector<400x400xf32>, vector<400x64xf32>, vector<400x64xf32> -> vector<400x64xf32>
    %add3A_151 = arith.addf %add3A_148, %dot_general3A_150 : vector<400x64xf32>
    %mul3A_152 = arith.constant 1.500000e-01 : f32
    %mul3A_153 = vector.broadcast %mul3A_152 : f32 to vector<400x1xf32>
    %mul3A_154 = arith.mulf %mul3A_153, %broadcast_in_dim3A_131 : vector<400x1xf32>
    %mul3A_155 = vector.broadcast %mul3A_154 : vector<400x1xf32> to vector<400x64xf32>
    %mul3A_156 = arith.mulf %add3A_151, %mul3A_155 : vector<400x64xf32>
    %add3A_157 = arith.addf %add3A_124, %mul3A_156 : vector<400x64xf32>
    %add3A_158 = arith.addf %add3A_125, %mul3A_154 : vector<400x1xf32>
    %jit3A_159 = arith.constant 0xFF800000 : f32
    %broadcast_in_dim3A_160 = vector.broadcast %jit3A_159 : f32 to vector<400x400xf32>
    %select_n3A_161 = arith.select %eq3A_141, %broadcast_in_dim3A_160, %select_n3A_128 : vector<400x400xi1>, vector<400x400xf32>
    %reduce_max3A_162 = arith.constant dense<0xFF800000> : vector<400xf32>
    %reduce_max3A_163 = vector.multi_reduction <maximumf>, %select_n3A_161, %reduce_max3A_162 [1] : vector<400x400xf32> to vector<400xf32>
    %broadcast_in_dim3A_164 = vector.shape_cast %reduce_max3A_163 : vector<400xf32> to vector<400x1xf32>
    %eq3A_165 = vector.broadcast %broadcast_in_dim3A_164 : vector<400x1xf32> to vector<400x400xf32>
    %eq3A_166 = arith.cmpf oeq, %select_n3A_161, %eq3A_165 : vector<400x400xf32>
    %jit3A_167 = arith.constant 400 : i32
    %broadcast_in_dim3A_168 = vector.broadcast %jit3A_167 : i32 to vector<400x400xi32>
    %select_n3A_169 = arith.select %eq3A_166, %iota3A, %broadcast_in_dim3A_168 : vector<400x400xi1>, vector<400x400xi32>
    %reduce_min3A_170 = arith.constant dense<2147483647> : vector<400xi32>
    %reduce_min3A_171 = vector.multi_reduction <minsi>, %select_n3A_169, %reduce_min3A_170 [1] : vector<400x400xi32> to vector<400xi32>
    %broadcast_in_dim3A_172 = vector.shape_cast %reduce_min3A_171 : vector<400xi32> to vector<400x1xi32>
    %eq3A_173 = vector.broadcast %broadcast_in_dim3A_172 : vector<400x1xi32> to vector<400x400xi32>
    %eq3A_174 = arith.cmpi eq, %iota3A, %eq3A_173 : vector<400x400xi32>
    %convert_element_type3A_175 = arith.extui %eq3A_174 : vector<400x400xi1> to vector<400x400xi32>
    %convert_element_type3A_176 = arith.sitofp %convert_element_type3A_175 : vector<400x400xi32> to vector<400x400xf32>
    %dot_general3A_177 = arith.constant dense<0.000000e+00> : vector<400x64xf32>
    %dot_general3A_178 = tpu.matmul %convert_element_type3A_176, %convert_element_type3A_6, %dot_general3A_177 {dimension_numbers = #tpu.dot_dimension_numbers<[1], [0], [0], [1], [0, 0, 1, 1], [], []>, transpose_lhs_hint = false} : vector<400x400xf32>, vector<400x64xf32>, vector<400x64xf32> -> vector<400x64xf32>
    %dot_general3A_179 = arith.constant dense<0.000000e+00> : vector<400x64xf32>
    %dot_general3A_180 = tpu.matmul %convert_element_type3A_176, %convert_element_type3A_8, %dot_general3A_179 {dimension_numbers = #tpu.dot_dimension_numbers<[1], [0], [0], [1], [0, 0, 1, 1], [], []>, transpose_lhs_hint = false} : vector<400x400xf32>, vector<400x64xf32>, vector<400x64xf32> -> vector<400x64xf32>
    %add3A_181 = arith.addf %dot_general3A_178, %dot_general3A_180 : vector<400x64xf32>
    %dot_general3A_182 = arith.constant dense<0.000000e+00> : vector<400x64xf32>
    %dot_general3A_183 = tpu.matmul %convert_element_type3A_176, %sub3A_9, %dot_general3A_182 {dimension_numbers = #tpu.dot_dimension_numbers<[1], [0], [0], [1], [0, 0, 1, 1], [], []>, transpose_lhs_hint = false} : vector<400x400xf32>, vector<400x64xf32>, vector<400x64xf32> -> vector<400x64xf32>
    %add3A_184 = arith.addf %add3A_181, %dot_general3A_183 : vector<400x64xf32>
    %mul3A_185 = arith.constant 1.500000e-01 : f32
    %mul3A_186 = vector.broadcast %mul3A_185 : f32 to vector<400x1xf32>
    %mul3A_187 = arith.mulf %mul3A_186, %broadcast_in_dim3A_164 : vector<400x1xf32>
    %mul3A_188 = vector.broadcast %mul3A_187 : vector<400x1xf32> to vector<400x64xf32>
    %mul3A_189 = arith.mulf %add3A_184, %mul3A_188 : vector<400x64xf32>
    %add3A_190 = arith.addf %add3A_157, %mul3A_189 : vector<400x64xf32>
    %add3A_191 = arith.addf %add3A_158, %mul3A_187 : vector<400x1xf32>
    %jit3A_192 = arith.constant 0xFF800000 : f32
    %broadcast_in_dim3A_193 = vector.broadcast %jit3A_192 : f32 to vector<400x400xf32>
    %select_n3A_194 = arith.select %eq3A_174, %broadcast_in_dim3A_193, %select_n3A_161 : vector<400x400xi1>, vector<400x400xf32>
    %reduce_max3A_195 = arith.constant dense<0xFF800000> : vector<400xf32>
    %reduce_max3A_196 = vector.multi_reduction <maximumf>, %select_n3A_194, %reduce_max3A_195 [1] : vector<400x400xf32> to vector<400xf32>
    %broadcast_in_dim3A_197 = vector.shape_cast %reduce_max3A_196 : vector<400xf32> to vector<400x1xf32>
    %eq3A_198 = vector.broadcast %broadcast_in_dim3A_197 : vector<400x1xf32> to vector<400x400xf32>
    %eq3A_199 = arith.cmpf oeq, %select_n3A_194, %eq3A_198 : vector<400x400xf32>
    %jit3A_200 = arith.constant 400 : i32
    %broadcast_in_dim3A_201 = vector.broadcast %jit3A_200 : i32 to vector<400x400xi32>
    %select_n3A_202 = arith.select %eq3A_199, %iota3A, %broadcast_in_dim3A_201 : vector<400x400xi1>, vector<400x400xi32>
    %reduce_min3A_203 = arith.constant dense<2147483647> : vector<400xi32>
    %reduce_min3A_204 = vector.multi_reduction <minsi>, %select_n3A_202, %reduce_min3A_203 [1] : vector<400x400xi32> to vector<400xi32>
    %broadcast_in_dim3A_205 = vector.shape_cast %reduce_min3A_204 : vector<400xi32> to vector<400x1xi32>
    %eq3A_206 = vector.broadcast %broadcast_in_dim3A_205 : vector<400x1xi32> to vector<400x400xi32>
    %eq3A_207 = arith.cmpi eq, %iota3A, %eq3A_206 : vector<400x400xi32>
    %convert_element_type3A_208 = arith.extui %eq3A_207 : vector<400x400xi1> to vector<400x400xi32>
    %convert_element_type3A_209 = arith.sitofp %convert_element_type3A_208 : vector<400x400xi32> to vector<400x400xf32>
    %dot_general3A_210 = arith.constant dense<0.000000e+00> : vector<400x64xf32>
    %dot_general3A_211 = tpu.matmul %convert_element_type3A_209, %convert_element_type3A_6, %dot_general3A_210 {dimension_numbers = #tpu.dot_dimension_numbers<[1], [0], [0], [1], [0, 0, 1, 1], [], []>, transpose_lhs_hint = false} : vector<400x400xf32>, vector<400x64xf32>, vector<400x64xf32> -> vector<400x64xf32>
    %dot_general3A_212 = arith.constant dense<0.000000e+00> : vector<400x64xf32>
    %dot_general3A_213 = tpu.matmul %convert_element_type3A_209, %convert_element_type3A_8, %dot_general3A_212 {dimension_numbers = #tpu.dot_dimension_numbers<[1], [0], [0], [1], [0, 0, 1, 1], [], []>, transpose_lhs_hint = false} : vector<400x400xf32>, vector<400x64xf32>, vector<400x64xf32> -> vector<400x64xf32>
    %add3A_214 = arith.addf %dot_general3A_211, %dot_general3A_213 : vector<400x64xf32>
    %dot_general3A_215 = arith.constant dense<0.000000e+00> : vector<400x64xf32>
    %dot_general3A_216 = tpu.matmul %convert_element_type3A_209, %sub3A_9, %dot_general3A_215 {dimension_numbers = #tpu.dot_dimension_numbers<[1], [0], [0], [1], [0, 0, 1, 1], [], []>, transpose_lhs_hint = false} : vector<400x400xf32>, vector<400x64xf32>, vector<400x64xf32> -> vector<400x64xf32>
    %add3A_217 = arith.addf %add3A_214, %dot_general3A_216 : vector<400x64xf32>
    %mul3A_218 = arith.constant 1.500000e-01 : f32
    %mul3A_219 = vector.broadcast %mul3A_218 : f32 to vector<400x1xf32>
    %mul3A_220 = arith.mulf %mul3A_219, %broadcast_in_dim3A_197 : vector<400x1xf32>
    %mul3A_221 = vector.broadcast %mul3A_220 : vector<400x1xf32> to vector<400x64xf32>
    %mul3A_222 = arith.mulf %add3A_217, %mul3A_221 : vector<400x64xf32>
    %add3A_223 = arith.addf %add3A_190, %mul3A_222 : vector<400x64xf32>
    %add3A_224 = arith.addf %add3A_191, %mul3A_220 : vector<400x1xf32>
    %jit3A_225 = arith.constant 0xFF800000 : f32
    %broadcast_in_dim3A_226 = vector.broadcast %jit3A_225 : f32 to vector<400x400xf32>
    %select_n3A_227 = arith.select %eq3A_207, %broadcast_in_dim3A_226, %select_n3A_194 : vector<400x400xi1>, vector<400x400xf32>
    %reduce_max3A_228 = arith.constant dense<0xFF800000> : vector<400xf32>
    %reduce_max3A_229 = vector.multi_reduction <maximumf>, %select_n3A_227, %reduce_max3A_228 [1] : vector<400x400xf32> to vector<400xf32>
    %broadcast_in_dim3A_230 = vector.shape_cast %reduce_max3A_229 : vector<400xf32> to vector<400x1xf32>
    %eq3A_231 = vector.broadcast %broadcast_in_dim3A_230 : vector<400x1xf32> to vector<400x400xf32>
    %eq3A_232 = arith.cmpf oeq, %select_n3A_227, %eq3A_231 : vector<400x400xf32>
    %jit3A_233 = arith.constant 400 : i32
    %broadcast_in_dim3A_234 = vector.broadcast %jit3A_233 : i32 to vector<400x400xi32>
    %select_n3A_235 = arith.select %eq3A_232, %iota3A, %broadcast_in_dim3A_234 : vector<400x400xi1>, vector<400x400xi32>
    %reduce_min3A_236 = arith.constant dense<2147483647> : vector<400xi32>
    %reduce_min3A_237 = vector.multi_reduction <minsi>, %select_n3A_235, %reduce_min3A_236 [1] : vector<400x400xi32> to vector<400xi32>
    %broadcast_in_dim3A_238 = vector.shape_cast %reduce_min3A_237 : vector<400xi32> to vector<400x1xi32>
    %eq3A_239 = vector.broadcast %broadcast_in_dim3A_238 : vector<400x1xi32> to vector<400x400xi32>
    %eq3A_240 = arith.cmpi eq, %iota3A, %eq3A_239 : vector<400x400xi32>
    %convert_element_type3A_241 = arith.extui %eq3A_240 : vector<400x400xi1> to vector<400x400xi32>
    %convert_element_type3A_242 = arith.sitofp %convert_element_type3A_241 : vector<400x400xi32> to vector<400x400xf32>
    %dot_general3A_243 = arith.constant dense<0.000000e+00> : vector<400x64xf32>
    %dot_general3A_244 = tpu.matmul %convert_element_type3A_242, %convert_element_type3A_6, %dot_general3A_243 {dimension_numbers = #tpu.dot_dimension_numbers<[1], [0], [0], [1], [0, 0, 1, 1], [], []>, transpose_lhs_hint = false} : vector<400x400xf32>, vector<400x64xf32>, vector<400x64xf32> -> vector<400x64xf32>
    %dot_general3A_245 = arith.constant dense<0.000000e+00> : vector<400x64xf32>
    %dot_general3A_246 = tpu.matmul %convert_element_type3A_242, %convert_element_type3A_8, %dot_general3A_245 {dimension_numbers = #tpu.dot_dimension_numbers<[1], [0], [0], [1], [0, 0, 1, 1], [], []>, transpose_lhs_hint = false} : vector<400x400xf32>, vector<400x64xf32>, vector<400x64xf32> -> vector<400x64xf32>
    %add3A_247 = arith.addf %dot_general3A_244, %dot_general3A_246 : vector<400x64xf32>
    %dot_general3A_248 = arith.constant dense<0.000000e+00> : vector<400x64xf32>
    %dot_general3A_249 = tpu.matmul %convert_element_type3A_242, %sub3A_9, %dot_general3A_248 {dimension_numbers = #tpu.dot_dimension_numbers<[1], [0], [0], [1], [0, 0, 1, 1], [], []>, transpose_lhs_hint = false} : vector<400x400xf32>, vector<400x64xf32>, vector<400x64xf32> -> vector<400x64xf32>
    %add3A_250 = arith.addf %add3A_247, %dot_general3A_249 : vector<400x64xf32>
    %mul3A_251 = arith.constant 1.500000e-01 : f32
    %mul3A_252 = vector.broadcast %mul3A_251 : f32 to vector<400x1xf32>
    %mul3A_253 = arith.mulf %mul3A_252, %broadcast_in_dim3A_230 : vector<400x1xf32>
    %mul3A_254 = vector.broadcast %mul3A_253 : vector<400x1xf32> to vector<400x64xf32>
    %mul3A_255 = arith.mulf %add3A_250, %mul3A_254 : vector<400x64xf32>
    %add3A_256 = arith.addf %add3A_223, %mul3A_255 : vector<400x64xf32>
    %add3A_257 = arith.addf %add3A_224, %mul3A_253 : vector<400x1xf32>
    %jit3A_258 = arith.constant 0xFF800000 : f32
    %broadcast_in_dim3A_259 = vector.broadcast %jit3A_258 : f32 to vector<400x400xf32>
    %select_n3A_260 = arith.select %eq3A_240, %broadcast_in_dim3A_259, %select_n3A_227 : vector<400x400xi1>, vector<400x400xf32>
    %reduce_max3A_261 = arith.constant dense<0xFF800000> : vector<400xf32>
    %reduce_max3A_262 = vector.multi_reduction <maximumf>, %select_n3A_260, %reduce_max3A_261 [1] : vector<400x400xf32> to vector<400xf32>
    %broadcast_in_dim3A_263 = vector.shape_cast %reduce_max3A_262 : vector<400xf32> to vector<400x1xf32>
    %eq3A_264 = vector.broadcast %broadcast_in_dim3A_263 : vector<400x1xf32> to vector<400x400xf32>
    %eq3A_265 = arith.cmpf oeq, %select_n3A_260, %eq3A_264 : vector<400x400xf32>
    %jit3A_266 = arith.constant 400 : i32
    %broadcast_in_dim3A_267 = vector.broadcast %jit3A_266 : i32 to vector<400x400xi32>
    %select_n3A_268 = arith.select %eq3A_265, %iota3A, %broadcast_in_dim3A_267 : vector<400x400xi1>, vector<400x400xi32>
    %reduce_min3A_269 = arith.constant dense<2147483647> : vector<400xi32>
    %reduce_min3A_270 = vector.multi_reduction <minsi>, %select_n3A_268, %reduce_min3A_269 [1] : vector<400x400xi32> to vector<400xi32>
    %broadcast_in_dim3A_271 = vector.shape_cast %reduce_min3A_270 : vector<400xi32> to vector<400x1xi32>
    %eq3A_272 = vector.broadcast %broadcast_in_dim3A_271 : vector<400x1xi32> to vector<400x400xi32>
    %eq3A_273 = arith.cmpi eq, %iota3A, %eq3A_272 : vector<400x400xi32>
    %convert_element_type3A_274 = arith.extui %eq3A_273 : vector<400x400xi1> to vector<400x400xi32>
    %convert_element_type3A_275 = arith.sitofp %convert_element_type3A_274 : vector<400x400xi32> to vector<400x400xf32>
    %dot_general3A_276 = arith.constant dense<0.000000e+00> : vector<400x64xf32>
    %dot_general3A_277 = tpu.matmul %convert_element_type3A_275, %convert_element_type3A_6, %dot_general3A_276 {dimension_numbers = #tpu.dot_dimension_numbers<[1], [0], [0], [1], [0, 0, 1, 1], [], []>, transpose_lhs_hint = false} : vector<400x400xf32>, vector<400x64xf32>, vector<400x64xf32> -> vector<400x64xf32>
    %dot_general3A_278 = arith.constant dense<0.000000e+00> : vector<400x64xf32>
    %dot_general3A_279 = tpu.matmul %convert_element_type3A_275, %convert_element_type3A_8, %dot_general3A_278 {dimension_numbers = #tpu.dot_dimension_numbers<[1], [0], [0], [1], [0, 0, 1, 1], [], []>, transpose_lhs_hint = false} : vector<400x400xf32>, vector<400x64xf32>, vector<400x64xf32> -> vector<400x64xf32>
    %add3A_280 = arith.addf %dot_general3A_277, %dot_general3A_279 : vector<400x64xf32>
    %dot_general3A_281 = arith.constant dense<0.000000e+00> : vector<400x64xf32>
    %dot_general3A_282 = tpu.matmul %convert_element_type3A_275, %sub3A_9, %dot_general3A_281 {dimension_numbers = #tpu.dot_dimension_numbers<[1], [0], [0], [1], [0, 0, 1, 1], [], []>, transpose_lhs_hint = false} : vector<400x400xf32>, vector<400x64xf32>, vector<400x64xf32> -> vector<400x64xf32>
    %add3A_283 = arith.addf %add3A_280, %dot_general3A_282 : vector<400x64xf32>
    %mul3A_284 = arith.constant 1.500000e-01 : f32
    %mul3A_285 = vector.broadcast %mul3A_284 : f32 to vector<400x1xf32>
    %mul3A_286 = arith.mulf %mul3A_285, %broadcast_in_dim3A_263 : vector<400x1xf32>
    %mul3A_287 = vector.broadcast %mul3A_286 : vector<400x1xf32> to vector<400x64xf32>
    %mul3A_288 = arith.mulf %add3A_283, %mul3A_287 : vector<400x64xf32>
    %add3A_289 = arith.addf %add3A_256, %mul3A_288 : vector<400x64xf32>
    %add3A_290 = arith.addf %add3A_257, %mul3A_286 : vector<400x1xf32>
    %jit3A_291 = arith.constant 0xFF800000 : f32
    %broadcast_in_dim3A_292 = vector.broadcast %jit3A_291 : f32 to vector<400x400xf32>
    %select_n3A_293 = arith.select %eq3A_273, %broadcast_in_dim3A_292, %select_n3A_260 : vector<400x400xi1>, vector<400x400xf32>
    %reduce_max3A_294 = arith.constant dense<0xFF800000> : vector<400xf32>
    %reduce_max3A_295 = vector.multi_reduction <maximumf>, %select_n3A_293, %reduce_max3A_294 [1] : vector<400x400xf32> to vector<400xf32>
    %broadcast_in_dim3A_296 = vector.shape_cast %reduce_max3A_295 : vector<400xf32> to vector<400x1xf32>
    %eq3A_297 = vector.broadcast %broadcast_in_dim3A_296 : vector<400x1xf32> to vector<400x400xf32>
    %eq3A_298 = arith.cmpf oeq, %select_n3A_293, %eq3A_297 : vector<400x400xf32>
    %jit3A_299 = arith.constant 400 : i32
    %broadcast_in_dim3A_300 = vector.broadcast %jit3A_299 : i32 to vector<400x400xi32>
    %select_n3A_301 = arith.select %eq3A_298, %iota3A, %broadcast_in_dim3A_300 : vector<400x400xi1>, vector<400x400xi32>
    %reduce_min3A_302 = arith.constant dense<2147483647> : vector<400xi32>
    %reduce_min3A_303 = vector.multi_reduction <minsi>, %select_n3A_301, %reduce_min3A_302 [1] : vector<400x400xi32> to vector<400xi32>
    %broadcast_in_dim3A_304 = vector.shape_cast %reduce_min3A_303 : vector<400xi32> to vector<400x1xi32>
    %eq3A_305 = vector.broadcast %broadcast_in_dim3A_304 : vector<400x1xi32> to vector<400x400xi32>
    %eq3A_306 = arith.cmpi eq, %iota3A, %eq3A_305 : vector<400x400xi32>
    %convert_element_type3A_307 = arith.extui %eq3A_306 : vector<400x400xi1> to vector<400x400xi32>
    %convert_element_type3A_308 = arith.sitofp %convert_element_type3A_307 : vector<400x400xi32> to vector<400x400xf32>
    %dot_general3A_309 = arith.constant dense<0.000000e+00> : vector<400x64xf32>
    %dot_general3A_310 = tpu.matmul %convert_element_type3A_308, %convert_element_type3A_6, %dot_general3A_309 {dimension_numbers = #tpu.dot_dimension_numbers<[1], [0], [0], [1], [0, 0, 1, 1], [], []>, transpose_lhs_hint = false} : vector<400x400xf32>, vector<400x64xf32>, vector<400x64xf32> -> vector<400x64xf32>
    %dot_general3A_311 = arith.constant dense<0.000000e+00> : vector<400x64xf32>
    %dot_general3A_312 = tpu.matmul %convert_element_type3A_308, %convert_element_type3A_8, %dot_general3A_311 {dimension_numbers = #tpu.dot_dimension_numbers<[1], [0], [0], [1], [0, 0, 1, 1], [], []>, transpose_lhs_hint = false} : vector<400x400xf32>, vector<400x64xf32>, vector<400x64xf32> -> vector<400x64xf32>
    %add3A_313 = arith.addf %dot_general3A_310, %dot_general3A_312 : vector<400x64xf32>
    %dot_general3A_314 = arith.constant dense<0.000000e+00> : vector<400x64xf32>
    %dot_general3A_315 = tpu.matmul %convert_element_type3A_308, %sub3A_9, %dot_general3A_314 {dimension_numbers = #tpu.dot_dimension_numbers<[1], [0], [0], [1], [0, 0, 1, 1], [], []>, transpose_lhs_hint = false} : vector<400x400xf32>, vector<400x64xf32>, vector<400x64xf32> -> vector<400x64xf32>
    %add3A_316 = arith.addf %add3A_313, %dot_general3A_315 : vector<400x64xf32>
    %mul3A_317 = arith.constant 1.500000e-01 : f32
    %mul3A_318 = vector.broadcast %mul3A_317 : f32 to vector<400x1xf32>
    %mul3A_319 = arith.mulf %mul3A_318, %broadcast_in_dim3A_296 : vector<400x1xf32>
    %mul3A_320 = vector.broadcast %mul3A_319 : vector<400x1xf32> to vector<400x64xf32>
    %mul3A_321 = arith.mulf %add3A_316, %mul3A_320 : vector<400x64xf32>
    %add3A_322 = arith.addf %add3A_289, %mul3A_321 : vector<400x64xf32>
    %add3A_323 = arith.addf %add3A_290, %mul3A_319 : vector<400x1xf32>
    %div3A = arith.constant 1.000000e+00 : f32
    %div3A_324 = vector.broadcast %div3A : f32 to vector<400x1xf32>
    %div3A_325 = arith.divf %div3A_324, %add3A_323 : vector<400x1xf32>
    %mul3A_326 = vector.broadcast %div3A_325 : vector<400x1xf32> to vector<400x64xf32>
    %mul3A_327 = arith.mulf %add3A_322, %mul3A_326 : vector<400x64xf32>
    %swap3A = arith.constant 0 : index
    %swap3A_328 = arith.constant 0 : index
    %swap3A_329 = arith.constant 0 : index
    %swap3A_330 = vector.load %arg7[%swap3A, %swap3A_328, %swap3A_329] : memref<1x400x64xf32, #tpu.memory_space<vmem>>, vector<1x400x64xf32>
    %swap3A_331 = vector.shape_cast %swap3A_330 : vector<1x400x64xf32> to vector<400x64xf32>
    %swap3A_332 = vector.shape_cast %mul3A_327 : vector<400x64xf32> to vector<1x400x64xf32>
    tpu.vector_store %arg7[%swap3A, %swap3A_328, %swap3A_329], %swap3A_332 {strides = array<i32>} : memref<1x400x64xf32, #tpu.memory_space<vmem>>, vector<1x400x64xf32>,
    %get3A_333 = arith.constant 0 : index
    %get3A_334 = arith.constant 0 : index
    %get3A_335 = arith.constant 0 : index
    %get3A_336 = vector.load %arg2[%get3A_333, %get3A_334, %get3A_335] : memref<1x1x64xf32, #tpu.memory_space<vmem>>, vector<1x1x64xf32>
    %get3A_337 = vector.shape_cast %get3A_336 : vector<1x1x64xf32> to vector<1x64xf32>
    %broadcast_in_dim3A_338 = vector.shape_cast %get3A_337 : vector<1x64xf32> to vector<1x64xf32>
    %broadcast_in_dim3A_339 = vector.broadcast %broadcast_in_dim3A_338 : vector<1x64xf32> to vector<8x64xf32>
    %dot_general3A_340 = arith.constant dense<0.000000e+00> : vector<400x8xf32>
    %dot_general3A_341 = tpu.matmul %mul3A_327, %broadcast_in_dim3A_339, %dot_general3A_340 {dimension_numbers = #tpu.dot_dimension_numbers<[1], [1], [0], [0], [0, 0, 1, 0], [], []>, transpose_lhs_hint = false} : vector<400x64xf32>, vector<8x64xf32>, vector<400x8xf32> -> vector<400x8xf32>
    %slice3A_342 = vector.extract_strided_slice %dot_general3A_341 {offsets = [0, 0], sizes = [400, 1], strides = [1, 1]} : vector<400x8xf32> to vector<400x1xf32>
    %transpose3A = tpu.transpose %slice3A_342, [1, 0] : vector<400x1xf32> -> vector<1x400xf32>
    %swap3A_343 = arith.constant 0 : index
    %swap3A_344 = arith.constant 0 : index
    %swap3A_345 = arith.constant 0 : index
    %swap3A_346 = vector.load %arg5[%swap3A_343, %swap3A_344, %swap3A_345] : memref<1x1x400xf32, #tpu.memory_space<vmem>>, vector<1x1x400xf32>
    %swap3A_347 = vector.shape_cast %swap3A_346 : vector<1x1x400xf32> to vector<1x400xf32>
    %swap3A_348 = vector.shape_cast %transpose3A : vector<1x400xf32> to vector<1x1x400xf32>
    tpu.vector_store %arg5[%swap3A_343, %swap3A_344, %swap3A_345], %swap3A_348 {strides = array<i32>} : memref<1x1x400xf32, #tpu.memory_space<vmem>>, vector<1x1x400xf32>,
    %broadcast_in_dim3A_349 = vector.shape_cast %transpose3A : vector<1x400xf32> to vector<1x400xf32>
    %broadcast_in_dim3A_350 = vector.broadcast %broadcast_in_dim3A_349 : vector<1x400xf32> to vector<400x400xf32>
    %broadcast_in_dim3A_351 = vector.shape_cast %slice3A_342 : vector<400x1xf32> to vector<400x1xf32>
    %broadcast_in_dim3A_352 = vector.broadcast %broadcast_in_dim3A_351 : vector<400x1xf32> to vector<400x400xf32>
    %gt3A = arith.cmpf ogt, %broadcast_in_dim3A_350, %broadcast_in_dim3A_352 : vector<400x400xf32>
    %convert_element_type3A_353 = arith.extui %gt3A : vector<400x400xi1> to vector<400x400xi32>
    %eq3A_354 = arith.cmpf oeq, %broadcast_in_dim3A_350, %broadcast_in_dim3A_352 : vector<400x400xf32>
    %lt3A = arith.cmpi slt, %iota3A, %iota3A_5 : vector<400x400xi32>
    %and3A = arith.andi %eq3A_354, %lt3A : vector<400x400xi1>
    %convert_element_type3A_355 = arith.extui %and3A : vector<400x400xi1> to vector<400x400xi32>
    %add3A_356 = arith.addi %convert_element_type3A_353, %convert_element_type3A_355 : vector<400x400xi32>
    %reduce_sum3A = arith.constant dense<0> : vector<400xi32>
    %reduce_sum3A_357 = vector.multi_reduction <add>, %add3A_356, %reduce_sum3A [1] : vector<400x400xi32> to vector<400xi32>
    %broadcast_in_dim3A_358 = vector.shape_cast %reduce_sum3A_357 : vector<400xi32> to vector<400x1xi32>
    %eq3A_359 = vector.broadcast %broadcast_in_dim3A_358 : vector<400x1xi32> to vector<400x400xi32>
    %eq3A_360 = arith.cmpi eq, %eq3A_359, %iota3A : vector<400x400xi32>
    %jit3A_361 = arith.constant 0 : i32
    %broadcast_in_dim3A_362 = vector.broadcast %jit3A_361 : i32 to vector<400x400xi32>
    %select_n3A_363 = arith.select %eq3A_360, %iota3A_5, %broadcast_in_dim3A_362 : vector<400x400xi1>, vector<400x400xi32>
    %reduce_sum3A_364 = arith.constant dense<0> : vector<400xi32>
    %reduce_sum3A_365 = vector.multi_reduction <add>, %select_n3A_363, %reduce_sum3A_364 [0] : vector<400x400xi32> to vector<400xi32>
    %broadcast_in_dim3A_366 = vector.shape_cast %reduce_sum3A_365 : vector<400xi32> to vector<1x400xi32>
    %swap3A_367 = arith.constant 0 : index
    %swap3A_368 = arith.constant 0 : index
    %swap3A_369 = arith.constant 0 : index
    %swap3A_370 = vector.load %arg6[%swap3A_367, %swap3A_368, %swap3A_369] : memref<1x1x400xi32, #tpu.memory_space<vmem>>, vector<1x1x400xi32>
    %swap3A_371 = vector.shape_cast %swap3A_370 : vector<1x1x400xi32> to vector<1x400xi32>
    %swap3A_372 = vector.shape_cast %broadcast_in_dim3A_366 : vector<1x400xi32> to vector<1x1x400xi32>
    tpu.vector_store %arg6[%swap3A_367, %swap3A_368, %swap3A_369], %swap3A_372 {strides = array<i32>} : memref<1x1x400xi32, #tpu.memory_space<vmem>>, vector<1x1x400xi32>,
    %get3A_373 = arith.constant 0 : index
    %get3A_374 = arith.constant 0 : index
    %get3A_375 = arith.constant 0 : index
    %get3A_376 = vector.load %arg3[%get3A_373, %get3A_374, %get3A_375] : memref<1x1x400xi32, #tpu.memory_space<vmem>>, vector<1x1x400xi32>
    %get3A_377 = vector.shape_cast %get3A_376 : vector<1x1x400xi32> to vector<1x400xi32>
    %transpose3A_378 = tpu.transpose %get3A_377, [1, 0] : vector<1x400xi32> -> vector<400x1xi32>
    %broadcast_in_dim3A_379 = vector.shape_cast %transpose3A_378 : vector<400x1xi32> to vector<400x1xi32>
    %broadcast_in_dim3A_380 = vector.broadcast %broadcast_in_dim3A_379 : vector<400x1xi32> to vector<400x400xi32>
    %jit3A_381 = arith.constant 0 : i32
    %broadcast_in_dim3A_382 = vector.broadcast %jit3A_381 : i32 to vector<400x400xi32>
    %select_n3A_383 = arith.select %eq3A_360, %broadcast_in_dim3A_380, %broadcast_in_dim3A_382 : vector<400x400xi1>, vector<400x400xi32>
    %reduce_sum3A_384 = arith.constant dense<0> : vector<400xi32>
    %reduce_sum3A_385 = vector.multi_reduction <add>, %select_n3A_383, %reduce_sum3A_384 [0] : vector<400x400xi32> to vector<400xi32>
    %broadcast_in_dim3A_386 = vector.shape_cast %reduce_sum3A_385 : vector<400xi32> to vector<1x400xi32>
    %swap3A_387 = arith.constant 0 : index
    %swap3A_388 = arith.constant 0 : index
    %swap3A_389 = arith.constant 0 : index
    %swap3A_390 = vector.load %arg4[%swap3A_387, %swap3A_388, %swap3A_389] : memref<1x1x400xi32, #tpu.memory_space<vmem>>, vector<1x1x400xi32>
    %swap3A_391 = vector.shape_cast %swap3A_390 : vector<1x1x400xi32> to vector<1x400xi32>
    %swap3A_392 = vector.shape_cast %broadcast_in_dim3A_386 : vector<1x400xi32> to vector<1x1x400xi32>
    tpu.vector_store %arg4[%swap3A_387, %swap3A_388, %swap3A_389], %swap3A_392 {strides = array<i32>} : memref<1x1x400xi32, #tpu.memory_space<vmem>>, vector<1x1x400xi32>,
    return
  }
  func.func @transform_0(%arg0: i32) -> (i32, i32, i32) {
    %c0_i32 = arith.constant 0 : i32
    %c0_i32_0 = arith.constant 0 : i32
    %c0_i32_1 = arith.constant 0 : i32
    return %arg0, %c0_i32, %c0_i32_0 : i32, i32, i32
  }
  func.func @transform_1(%arg0: i32) -> (i32, i32, i32) {
    %c0_i32 = arith.constant 0 : i32
    %c0_i32_0 = arith.constant 0 : i32
    %c0_i32_1 = arith.constant 0 : i32
    return %arg0, %c0_i32, %c0_i32_0 : i32, i32, i32
  }
  func.func @transform_2(%arg0: i32) -> (i32, i32, i32) {
    %c0_i32 = arith.constant 0 : i32
    %c0_i32_0 = arith.constant 0 : i32
    %c0_i32_1 = arith.constant 0 : i32
    return %arg0, %c0_i32, %c0_i32_0 : i32, i32, i32
  }
  func.func @transform_3(%arg0: i32) -> (i32, i32, i32) {
    %c0_i32 = arith.constant 0 : i32
    %c0_i32_0 = arith.constant 0 : i32
    %c0_i32_1 = arith.constant 0 : i32
    return %arg0, %c0_i32, %c0_i32_0 : i32, i32, i32
  }
  func.func @transform_4(%arg0: i32) -> (i32, i32, i32) {
    %c0_i32 = arith.constant 0 : i32
    %c0_i32_0 = arith.constant 0 : i32
    %c0_i32_1 = arith.constant 0 : i32
    return %arg0, %c0_i32, %c0_i32_0 : i32, i32, i32
  }
  func.func @transform_5(%arg0: i32) -> (i32, i32, i32) {
    %c0_i32 = arith.constant 0 : i32
    %c0_i32_0 = arith.constant 0 : i32
    %c0_i32_1 = arith.constant 0 : i32
    return %arg0, %c0_i32, %c0_i32_0 : i32, i32, i32
  }
  func.func @transform_6(%arg0: i32) -> (i32, i32, i32) {
    %c0_i32 = arith.constant 0 : i32
    %c0_i32_0 = arith.constant 0 : i32
    %c0_i32_1 = arith.constant 0 : i32
    return %arg0, %c0_i32, %c0_i32_0 : i32, i32, i32
  }
}

</mosaic_0001>

<sc_bundles>
// kernel: kernel.4.cloned.1.call-start
scs
__scs_entry_jumppad:
0x0: {  	(pc) =	sbr.rel $0x88, $3  }
0x1: {  	(tag) =	ssettag $0x0;
	lr =	simm.s32 $0x1  }
0x2: {  	[smem:$0x3F9E] =	sst lr;
	_ =	strace $0xD0000000  }
0x3: {  	_ = 	snop  }
0x4: {  	_ = 	snop  }
0x5: {  	_ = 	snop  }
0x6: {  	_ = 	snop  }
0x7: {  	_ = 	snop  }
__scs_overlays_trampoline_lowered:
0x8: {  	[smem:$0x3FAD] =	sst s0  }
0x9: {  	[smem:$0x3FAE] =	sst s1  }
0xa: {  	[smem:$0x3FAF] =	sst s2  }
0xb: {  	[smem:$0x3FB0] =	sst s3  }
0xc: {  	[smem:$0x3FB1] =	sst s4  }
0xd: {  	[smem:$0x3FB2] =	sst s5  }
0xe: {  	[smem:$0x3FB3] =	sst s6  }
0xf: {  	[smem:$0x3FB4] =	sst s7  }
0x10: {  	[smem:$0x3FB5] =	sst s8  }
0x11: {  	[smem:$0x3FB6] =	sst s9;
	s0 =	simm.s32 @!p0 $0x0  }
0x12: {  	s1 =	sld [smem:$0x3F9C];
	s0 =	simm.s32 @p0 $0x1  }
0x13: {  	[smem:$0x3FB7] =	sst s0;
	s0 =	simm.s32 @!p1 $0x0  }
0x14: {  	s2 =	sld [smem:$0x3F9B];
	s0 =	simm.s32 @p1 $0x1  }
0x15: {  	[smem:$0x3FB8] =	sst s0;
	s0 =	simm.s32 @!p2 $0x0  }
0x16: {  	s3 =	sld [smem:$0x3FDB];
	s0 =	simm.s32 @p2 $0x1  }
0x17: {  	s4 =	simm.s32 $0x1BF5;
	[smem:$0x3FBA] =	sst s0  }
0x18: {  	s0 =	sld [smem:$0x3F9D];
	_ =	swait.ge [sflag:s4], $0x0  }
0x19: {  	s7 =	sld [smem:$0x3F9E]  }
0x1a: {  	s8 =	sadd.s32 $0xFFFFE003, lr  }
0x1b: {  	s9 =	sadd.s32 $0xFFFFFEF7, lr;
	s5 =	simm.s32 $0xFFFFFFFF;
	p2 =	slt.u32 s8, $0xFFFFF086  }
0x1c: {  	p1 =	slt.u32 s9, $0xF7A;
	s5 =	simm.s32 @!p2 $0x0  }
0x1d: {  	s5 =	simm.s32 @p1 $0x1;
	p0 =	seq.s32 s7, s2  }
0x1e: {  	s7 =	smul.u32 @!p0 $0xF7A, s2;
	p2 =	seq.s32 @!p0 s5, $0x0  }
0x1f: {  	s9 =	smul.u32 $0xF7A, s1;
	s8 =	simm.s32 @!p0 $0x1BF5;
	p2 =	por !p2, p0  }
0x20: {  	[sflag:s8] =	ssyncset.s32 @!p0 $0xFFFFF086;
	s6 =	sadd.s32 @!p0 s3, s7;
	s7 =	simm.s32 @!p0 $0x108  }
0x21: {  	s3 =	sadd.s32 s3, s9;
	s6 =	sadd.s32 @!p0 $0x88, s6;
	s7 =	simm.s32 @p2 $0x1082  }
0x22: {  	[simem:s7], [sflag:s8] =	dma.local @!p0 [hbm:s6], $0xF7A  }
0x23: {  	s9 =	sor.u32 $0xD0000000, s2;
	s6 =	simm.s32 $0x108;
	_ =	swait.ge @!p0 [sflag:s8], $0x0  }
0x24: {  	s3 =	sadd.s32 $0x88, s3;
	s6 =	simm.s32 @!p1 $0x1082;
	[sflag:s4] =	ssyncset.s32 $0xFFFFF086  }
0x25: {  	[simem:s6], [sflag:s4] =	dma.local [hbm:s3], $0xF7A  }
0x26: {  	[smem:$0x3F9E] =	sst s1;
	(tag) =	ssettag s2;
	_ =	strace s9  }
0x27: {  	s1 =	sld [smem:$0x3FAE]  }
0x28: {  	s2 =	sld [smem:$0x3FAF]  }
0x29: {  	s4 =	sld [smem:$0x3FB1]  }
0x2a: {  	p0 =	seq.s32 s5, $0x0;
	s5 =	sld [smem:$0x3FB2]  }
0x2b: {  	s6 =	sld [smem:$0x3FB3]  }
0x2c: {  	s7 =	sld [smem:$0x3FB4]  }
0x2d: {  	s3 =	simm.s32 $0x108;
	s8 =	sld [smem:$0x3FB5]  }
0x2e: {  	s3 =	simm.s32 @!p0 $0x1082;
	s9 =	sld [smem:$0x3FB6]  }
0x2f: {  	lr =	sadd.s32 s0, s3;
	s0 =	sld [smem:$0x3FAD]  }
0x30: {  	s3 =	sld [smem:$0x3FB0]  }
0x31: {  	[smem:$0x3FB9] =	sst s10  }
0x32: {  	s10 =	sld [smem:$0x3FB7];
	_ =	sdelay $0x3  }
0x33: {  	p0 =	seq.s32 s10, $0x1;
	s10 =	sld [smem:$0x3FB9];
	_ =	sdelay $0x3  }
0x34: {  	[smem:$0x3FB9] =	sst s10  }
0x35: {  	s10 =	sld [smem:$0x3FB8];
	_ =	sdelay $0x3  }
0x36: {  	p1 =	seq.s32 s10, $0x1;
	s10 =	sld [smem:$0x3FB9];
	_ =	sdelay $0x3  }
0x37: {  	[smem:$0x3FB9] =	sst s10  }
0x38: {  	s10 =	sld [smem:$0x3FBA]  }
0x39: {  	_ = 	snop;
	(pc) =	sbr.ind lr, $3  }
0x3a: {  	_ = 	snop  }
0x3b: {  	_ = 	snop  }
0x3c: {  	p2 =	seq.s32 s10, $0x1;
	s10 =	sld [smem:$0x3FB9]  }
0x3d: {  	_ =	shalt  }
0x3e: {  	_ =	shalt  }
0x3f: {  	_ =	shalt  }
0x40: {  	_ =	shalt  }
0x41: {  	_ =	shalt  }
0x42: {  	_ =	shalt  }
0x43: {  	_ =	shalt  }
0x44: {  	_ =	shalt  }
0x45: {  	_ =	shalt  }
0x46: {  	_ =	shalt  }
0x47: {  	_ =	shalt  }
0x48: {  	_ =	shalt  }
0x49: {  	_ =	shalt  }
0x4a: {  	_ =	shalt  }
0x4b: {  	_ =	shalt  }
0x4c: {  	_ =	shalt  }
0x4d: {  	_ =	shalt  }
0x4e: {  	_ =	shalt  }
0x4f: {  	_ =	shalt  }
0x50: {  	_ =	shalt  }
0x51: {  	_ =	shalt  }
0x52: {  	_ =	shalt  }
0x53: {  	_ =	shalt  }
0x54: {  	_ =	shalt  }
0x55: {  	_ =	shalt  }
0x56: {  	_ =	shalt  }
0x57: {  	_ =	shalt  }
0x58: {  	_ =	shalt  }
0x59: {  	_ =	shalt  }
0x5a: {  	_ =	shalt  }
0x5b: {  	_ =	shalt  }
0x5c: {  	_ =	shalt  }
0x5d: {  	_ =	shalt  }
0x5e: {  	_ =	shalt  }
0x5f: {  	_ =	shalt  }
0x60: {  	_ =	shalt  }
0x61: {  	_ =	shalt  }
0x62: {  	_ =	shalt  }
0x63: {  	_ =	shalt  }
0x64: {  	_ =	shalt  }
0x65: {  	_ =	shalt  }
0x66: {  	_ =	shalt  }
0x67: {  	_ =	shalt  }
0x68: {  	_ =	shalt  }
0x69: {  	_ =	shalt  }
0x6a: {  	_ =	shalt  }
0x6b: {  	_ =	shalt  }
0x6c: {  	_ =	shalt  }
0x6d: {  	_ =	shalt  }
0x6e: {  	_ =	shalt  }
0x6f: {  	_ =	shalt  }
0x70: {  	_ =	shalt  }
0x71: {  	_ =	shalt  }
0x72: {  	_ =	shalt  }
0x73: {  	_ =	shalt  }
0x74: {  	_ =	shalt  }
0x75: {  	_ =	shalt  }
0x76: {  	_ =	shalt  }
0x77: {  	_ =	shalt  }
0x78: {  	_ =	shalt  }
0x79: {  	_ =	shalt  }
0x7a: {  	_ =	shalt  }
0x7b: {  	_ =	shalt  }
0x7c: {  	_ =	shalt  }
0x7d: {  	_ =	shalt  }
0x7e: {  	_ =	shalt  }
0x7f: {  	_ =	shalt  }
0x80: {  	_ =	shalt  }
0x81: {  	_ =	shalt  }
0x82: {  	_ =	shalt  }
0x83: {  	_ =	shalt  }
0x84: {  	_ =	shalt  }
0x85: {  	_ =	shalt  }
0x86: {  	_ =	shalt  }
0x87: {  	_ =	shalt  }
.Lfunc_end0:
.L_simem_size_0:
called_computation_lowered:
.L_overlay_start_0:
0x88: {  	s2 =	sld [smem:$0x3FD9]  }
0x89: {  	s3 =	sld [smem:$0x3FFE];
	_ =	sdelay $0x1  }
0x8a: {  	s1 =	srdreg.scid  }
0x8b: {  	s0 =	sand.u32 $0x1, s1  }
0x8c: {  	s14 =	sshll.u32 s0, $0xA;
	s2 =	sadd.s32 s3, s2  }
0x8d: {  	s2 =	sadd.s32 s2, s14  }
0x8e: {  	[smem:$0x3FC5] =	sst s2  }
0x8f: {  	_ = 	snop  }
0x90: {  	s2 =	sld [smem:$0x3FD0];
	_ =	sdelay $0x2  }
0x91: {  	s15 =	simm.s32 $0xA;
	s4 =	simm.s32 $0x10  }
0x92: {  	[smem:s4], [sflag:s15] =	dma.local [hbm:s2], $0x1  }
0x93: {  	_ =	swait.eq [sflag:s15], $0x1  }
0x94: {  	[sflag:s15] =	ssyncset.done $0x0  }
0x95: {  	[sflag:s15] =	ssyncadd.s32 $0xFFFFFFFF  }
0x96: {  	s16 =	sld [smem:$0x13];
	(tm) =	ssettm $0x1  }
0x97: {  	s17 =	sld [smem:$0x3FFB];
	_ =	sdelay $0x3  }
0x98: {  	_ =	strace s17  }
0x99: {  	s3 =	sld [smem:$0x3FFC];
	_ =	sdelay $0x3  }
0x9a: {  	_ =	strace s3  }
0x9b: {  	s3 =	sld [smem:$0x3FFD];
	_ =	sdelay $0x3  }
0x9c: {  	_ =	strace s3  }
0x9d: {  	_ =	strace $0x8FFFFFFF  }
0x9e: {  	s18 =	sld [smem:$0x3FDB];
	_ =	sdelay $0x1  }
0x9f: {  	s19 =	simm.s32 $_scs_section_size  }
0xa0: {  	s5 =	simm.s32 $_size__tile_overlayer_lowered;
	s6 =	simm.s32 $_tile_overlayer_lowered  }
0xa1: {  	s22 =	simm.s32 $0x1BFF;
	s21 =	sshll.u32 s6, $0x1;
	s3 =	sadd.s32 s19, s18  }
0xa2: {  	s7 =	simm.s32 $0x0;
	s20 =	sshll.u32 s5, $0x1;
	s5 =	sadd.s32 s21, s3  }
0xa3: {  	[timem:s7], [sflag:s22] =	dma.local [hbm:s5], s20  }
0xa4: {  	_ =	swait.ge [sflag:s22], s20  }
0xa5: {  	s4 =	ssub.s32 $0x0, s20;
	[sflag:s22] =	ssyncset.done $0x0  }
0xa6: {  	[sflag:s22] =	ssyncadd.s32 s4;
	_ =	sdelay $0x1  }
0xa7: {  	s23 =	simm.s32 $0x1B8B  }
0xa8: {  	_ =	swait.ge [sflag:s23], $0x1  }
0xa9: {  	[sflag:s23] =	ssyncset.done $0x0  }
0xaa: {  	s25 =	simm.s32 $0x1B8E;
	s24 =	sld [smem:$0x3FFE];
	[sflag:s23] =	ssyncadd.s32 $0xFFFFFFFF  }
0xab: {  	s26 =	simm.s32 $execute0_lowered;
	[smem:$0x3FD2] =	sst s25  }
0xac: {  	s5 =	sshll.u32 s26, $0x1;
	_ =	strace $0x80000046;
	[dreg:$0x1] =	wrdreg $0xFFFFFFFF  }
0xad: {  	s28 =	simm.s32 $_size_execute0_lowered;
	s3 =	sadd.s32 s3, s5;
	[dreg:$0x0] =	wrdreg $0x0  }
0xae: {  	s5 =	sshll.u32 s28, $0x1;
	[dreg:$0x2] =	wrdreg s3  }
0xaf: {  	[dreg:$0x3] =	wrdreg s5  }
0xb0: {  	[dreg:$0x4] =	wrdreg $0xC0  }
0xb1: {  	_ =	task [dreg:s7], $0x5FFFF  }
0xb2: {  	[dreg:$0x1] =	wrdreg $0xFFFFFFFF  }
0xb3: {  	[dreg:$0x0] =	wrdreg $0x60  }
0xb4: {  	[dreg:$0x2] =	wrdreg s24  }
0xb5: {  	[dreg:$0x3] =	wrdreg s16  }
0xb6: {  	[dreg:$0x4] =	wrdreg $0x9  }
0xb7: {  	_ =	task.clear_ibuf [dreg:s7], $0x5FFFF;
	_ =	strace $0x90000046  }
0xb8: {  	s29 =	simm.s32 $0x9;
	_ =	strace $0x80000048  }
0xb9: {  	_ =	swait.ge [sflag:s29], $0x1  }
0xba: {  	[sflag:s29] =	ssyncadd.s32 $0xFFFFFFFF  }
0xbb: {  	_ =	strace $0x90000048  }
0xbc: {  	_ =	sfence  }
0xbd: {  	s30 =	sld [smem:$0x0];
	_ =	sdelay $0x2  }
0xbe: {  	s31 =	sshll.u32 s1, $0xD;
	s1 =	sshrl.u32 s1, $0x2  }
0xbf: {  	s3 =	sand.u32 $0x4000, s31;
	s1 =	sadd.s32 s1, s30  }
0xc0: {  	s0 =	sor.u32 s3, s0;
	s1 =	sshll.u32 s1, $0x11  }
0xc1: {  	s0 =	sor.u32 s1, s0  }
0xc2: {  	s0 =	sadd.s32 $0x8F2B, s0  }
0xc3: {  	[sflag:s0] =	ssyncadd.remote.s32 $0x1  }
0xc4: {  	_ =	sfence.sel $0xFFFF  }
0xc5: {  	[dreg:$0x0] =	wrdreg $0xFFFFFFFF;
	(pc) =	sbr.abs _section_cstart, $3  }
0xc6: {  	[dreg:$0x1] =	wrdreg $0xFFFFFFFF  }
0xc7: {  	_ =	task.clear_ibuf [dreg:s7], $0x2FFFF;
	_ =	strace $0x9FFFFFFF  }
0xc8: {  	(tm) =	ssettm $0x7FFFFFFF  }
0xc9: {  	_ =	shalt  }
tec
execute0_lowered:
.L_overlay_start_1:
0x0: {  	(tag) =	ssettag $0x1  }
0x1: {  	s4 =	rddreg [dreg:$0x0]  }
0x2: {  	s5 =	rddreg [dreg:$0x1]  }
0x3: {  	s0 =	rddreg [dreg:$0x2]  }
0x4: {  	s3 =	srdreg.scid;
	s1 =	stileid.u32;
	s2 =	simm.s32 $0x0  }
0x5: {  	s12 =	simm.s32 $0x0;
	s6 =	sand.u32 $0x1, s3;
	s25 =	sshll.u32 s1, $0x1  }
0x6: {  	[smem:$0x7FF] =	sst s2;
	s3 =	sadd.s32 $0x187600, s4;
	s10 =	smul.u32 $0xC8000, s1  }
0x7: {  	s11 =	sadd.s32 $0x30E000, s4;
	s7 =	sor.u32 s6, s25;
	s9 =	ssub.s32 $0x2, s6  }
0x8: {  	_ =	strace $0x80000047;
	s6 =	smul.u32 $0x64000, s6;
	s26 =	sshrl.u32 s9, $0x1  }
0x9: {  	s8 =	smul.u32 $0x64000, s7;
	s28 =	sshll.u32 s7, $0x9;
	s9 =	ssub.s32 s9, s26  }
0xa: {  	s4 =	sadd.s32 s5, s28;
	s30 =	sadd.s32 s6, s10;
	s10 =	simm.s32 $0x1  }
0xb: {  	s29 =	sshrl.u32 s8, $0x3;
	s5 =	smax.u32 s9, $0x1;
	s31 =	sshrl.u32 s30, $0x3  }
0xc: {  	s8 =	simm.s32 $0x3;
	s9 =	simm.s32 $0x1000;
	s7 =	sadd.s32 s11, s29  }
0xd: {  	s6 =	sadd.s32 $0xC000, s7;
	s7 =	sadd.s32 s31, s11;
	s11 =	simm.s32 $0x4  }
.LBB2_1:
0xe: {  	[tilespmem:s2], [sflag:$0x3] =	stream.linear.gather [hbm4b:s4+s2], $0xC80, $0x38;
	[tilespmem:$0x9000] =	vst v63  }
0xf: {  	s14 =	sand.u32 $0x1, s2;
	_ =	swait.ge [sflag:s8], $0xC80  }
0x10: {  	p0 =	seq.s32 s14, $0x1;
	[sflag:s8] =	ssyncset.done $0x0  }
0x11: {  	s13 =	simm.s32 $0x80;
	s14 =	simm.s32 @p0 $0x2;
	[sflag:s8] =	ssyncadd.s32 $0xFFFFF380  }
0x12: {  	[tilespmem:s9], [sflag:$0x1] =	stream.indirect.gather [hbm4b:s3+s13], $0x80, s2, s13, $0xb8;
	[tilespmem:$0x9000] =	vst v63  }
0x13: {  	_ =	swait.ge @p0 [sflag:s14], $0x4000  }
0x14: {  	[sflag:s14] =	ssyncset.done @p0 $0x0  }
0x15: {  	s15 =	simm.s32 @p0 $0x1000;
	[sflag:s14] =	ssyncadd.s32 @p0 $0xFFFFC000;
	s14 =	simm.s32 @p0 $0x80  }
0x16: {  	[tilespmem:s15], [sflag:$0x1] =	stream.indirect.gather @p0 [hbm4b:s3+s14], $0x80, s13, s14, $0xb8;
	[tilespmem:$0x9000] =	vst v63  }
0x17: {  	s16 =	simm.s32 @!p0 $0x1;
	s14 =	simm.s32 @p0 $0x0;
	s15 =	simm.s32 @p0 $0x5000  }
0x18: {  	[hbm4b:s7+s14] =	stream.linear.scatter @p0 [tilespmem:s15], [sflag:$0x3], $0x4000, $0x38;
	[tilespmem:$0x9000] =	vst v63  }
0x19: {  	_ =	swait.ge @!p0 [sflag:s16], $0x4000  }
0x1a: {  	s31 =	simm.s32 $0x1;
	s17 =	simm.s32 @!p0 $0x5000;
	[sflag:s16] =	ssyncset.done @!p0 $0x0  }
0x1b: {  	s15 =	simm.s32 @!p0 $0x4;
	[sflag:s16] =	ssyncadd.s32 @!p0 $0xFFFFC000;
	s16 =	simm.s32 @!p0 $0x80  }
0x1c: {  	[tilespmem:s17], [sflag:$0x2] =	stream.indirect.gather @!p0 [hbm4b:s3+s16], $0x80, s13, s16, $0xb8;
	[tilespmem:$0x9000] =	vst v63  }
0x1d: {  	s15 =	simm.s32 @p0 $0x3;
	s13 =	simm.s32 @!p0 $0x0;
	s16 =	simm.s32 @!p0 $0x1000  }
0x1e: {  	[hbm4b:s7+s13] =	stream.linear.scatter @!p0 [tilespmem:s16], [sflag:$0x4], $0x4000, $0x38;
	[tilespmem:$0x9000] =	vst v63  }
0x1f: {  	s14 =	simm.s32 $0x100;
	s17 =	sand.u32 $0x1, s31;
	_ =	swait.ge [sflag:s15], $0x4000  }
0x20: {  	s16 =	simm.s32 $0x2;
	s13 =	sadd.s32 $0x800, s7;
	[sflag:s15] =	ssyncset.done $0x0  }
.LBB2_2:
0x21: {  	p1 =	seq.s32 s17, $0x1  }
0x22: {  	[sflag:s15] =	ssyncadd.s32 $0xFFFFC000;
	s17 =	smov.u32 s16;
	s16 =	sadd.s32 $0x1, s16  }
0x23: {  	p0 =	sne.s32 s16, $0x18;
	s18 =	simm.s32 @p1 $0x2;
	s15 =	simm.s32 @!p1 $0x4  }
0x24: {  	_ =	swait.ge @p1 [sflag:s18], $0x4000  }
0x25: {  	[sflag:s18] =	ssyncset.done @p1 $0x0  }
0x26: {  	s19 =	simm.s32 @p1 $0x1000;
	[sflag:s18] =	ssyncadd.s32 @p1 $0xFFFFC000;
	s18 =	simm.s32 @p1 $0x80  }
0x27: {  	[tilespmem:s19], [sflag:$0x1] =	stream.indirect.gather @p1 [hbm4b:s3+s18], $0x80, s14, s18, $0xb8;
	[tilespmem:$0x9000] =	vst v63  }
0x28: {  	s20 =	simm.s32 @!p1 $0x1;
	s18 =	simm.s32 @p1 $0x0;
	s19 =	simm.s32 @p1 $0x5000  }
0x29: {  	[hbm4b:s13+s18] =	stream.linear.scatter @p1 [tilespmem:s19], [sflag:$0x3], $0x4000, $0x38;
	[tilespmem:$0x9000] =	vst v63  }
0x2a: {  	_ =	swait.ge @!p1 [sflag:s20], $0x4000  }
0x2b: {  	[sflag:s20] =	ssyncset.done @!p1 $0x0  }
0x2c: {  	s18 =	simm.s32 @!p1 $0x80;
	s19 =	simm.s32 @!p1 $0x5000;
	[sflag:s20] =	ssyncadd.s32 @!p1 $0xFFFFC000  }
0x2d: {  	[tilespmem:s19], [sflag:$0x2] =	stream.indirect.gather @!p1 [hbm4b:s3+s18], $0x80, s14, s18, $0xb8;
	[tilespmem:$0x9000] =	vst v63  }
.Ltmp0:
0x2e: {  	_ = 	snop;
	(pc) =	sbr.rel @p0 .LBB2_2-.Ltmp0, $4  }
0x2f: {  	s15 =	simm.s32 @p1 $0x3;
	s18 =	simm.s32 @!p1 $0x0;
	s19 =	simm.s32 @!p1 $0x1000  }
0x30: {  	[hbm4b:s13+s18] =	stream.linear.scatter @!p1 [tilespmem:s19], [sflag:$0x4], $0x4000, $0x38;
	[tilespmem:$0x9000] =	vst v63  }
0x31: {  	s13 =	sadd.s32 $0x800, s13;
	_ =	swait.ge [sflag:s15], $0x4000  }
0x32: {  	s17 =	sand.u32 $0x1, s17;
	s14 =	sadd.s32 $0x80, s14;
	[sflag:s15] =	ssyncset.done $0x0  }
0x33: {  	p0 =	seq.s32 s17, $0x1  }
0x34: {  	[sflag:s15] =	ssyncadd.s32 $0xFFFFC000;
	s15 =	simm.s32 @p0 $0x2  }
0x35: {  	_ =	swait.ge @p0 [sflag:s15], $0x4000  }
0x36: {  	[sflag:s15] =	ssyncset.done @p0 $0x0  }
0x37: {  	s16 =	simm.s32 @p0 $0x1000;
	[sflag:s15] =	ssyncadd.s32 @p0 $0xFFFFC000;
	s15 =	simm.s32 @p0 $0x80  }
0x38: {  	[tilespmem:s16], [sflag:$0x1] =	stream.indirect.gather @p0 [hbm4b:s3+s15], $0x80, s14, s15, $0xb8;
	[tilespmem:$0x9000] =	vst v63  }
0x39: {  	s17 =	simm.s32 @!p0 $0x1;
	s15 =	simm.s32 @p0 $0x0;
	s16 =	simm.s32 @p0 $0x5000  }
0x3a: {  	[hbm4b:s13+s15] =	stream.linear.scatter @p0 [tilespmem:s16], [sflag:$0x3], $0x4000, $0x38;
	[tilespmem:$0x9000] =	vst v63  }
0x3b: {  	_ =	swait.ge @!p0 [sflag:s17], $0x4000  }
0x3c: {  	s15 =	simm.s32 @!p0 $0x4;
	[sflag:s17] =	ssyncset.done @!p0 $0x0  }
0x3d: {  	s16 =	simm.s32 @!p0 $0x80;
	[sflag:s17] =	ssyncadd.s32 @!p0 $0xFFFFC000;
	s17 =	simm.s32 @!p0 $0x5000  }
0x3e: {  	[tilespmem:s17], [sflag:$0x2] =	stream.indirect.gather @!p0 [hbm4b:s3+s16], $0x80, s14, s16, $0xb8;
	[tilespmem:$0x9000] =	vst v63  }
0x3f: {  	s15 =	simm.s32 @p0 $0x3;
	s14 =	simm.s32 @!p0 $0x0;
	s16 =	simm.s32 @!p0 $0x1000  }
0x40: {  	[hbm4b:s13+s14] =	stream.linear.scatter @!p0 [tilespmem:s16], [sflag:$0x4], $0x4000, $0x38;
	[tilespmem:$0x9000] =	vst v63  }
0x41: {  	_ =	swait.ge [sflag:s15], $0x4000  }
0x42: {  	[sflag:s15] =	ssyncset.done $0x0  }
0x43: {  	[sflag:s15] =	ssyncadd.s32 $0xFFFFC000  }
0x44: {  	s12 =	sadd.s32 $0x1, s12;
	_ =	swait.ge [sflag:s10], $0x4000  }
0x45: {  	p0 =	sne.s32 s12, s5;
	[sflag:s10] =	ssyncset.done $0x0  }
.Ltmp1:
0x46: {  	[sflag:s10] =	ssyncadd.s32 $0xFFFFC000;
	(pc) =	sbr.rel @p0 .LBB2_1-.Ltmp1, $4  }
0x47: {  	[hbm4b:s6+s2] =	stream.linear.scatter [tilespmem:s9], [sflag:$0x4], $0x4000, $0x38;
	[tilespmem:$0x9000] =	vst v63  }
0x48: {  	_ =	swait.ge [sflag:s11], $0x4000  }
0x49: {  	[sflag:s11] =	ssyncset.done $0x0  }
0x4a: {  	[sflag:s11] =	ssyncadd.s32 $0xFFFFC000  }
0x4b: {  	_ =	sfence.sel $0x180000  }
0x4c: {  	[bflag:$0x0] =	sbarrier.arrive $0xFFFF  }
0x4d: {  	p0 =	sne.s32 s1, $0x0;
	_ =	strace $0x90000047  }
0x4e: {  	s0 =	sadd.s32 @!p0 $0x100000, s0;
	[bflag:$0x2] =	sbarrier.arrive $0xFFFF  }
0x4f: {  	[sflag:s0] =	ssyncadd.tile.s32 @!p0 $0x1;
	_ =	shalt  }
.Lfunc_end2:
_tile_overlayer_lowered:
.L_overlay_start_2:
0x50: {  	(tag) =	ssettag $0x2  }
0x51: {  	s0 =	rddreg [dreg:$0x0];
	s2 =	stileid.u32  }
0x52: {  	s1 =	rddreg [dreg:$0x1];
	p0 =	sne.s32 s2, $0x0  }
0x53: {  	s3 =	rddreg [dreg:$0x2];
	[bflag:$0x3] =	sbarrier.arrive $0xFFFF;
	s2 =	simm.s32 @!p0 $0x1C03  }
0x54: {  	[timem:s3], [sflag:s2] =	dma.local @!p0 [hbm:s0], s1  }
0x55: {  	s0 =	simm.s32 @!p0 $0x3  }
0x56: {  	_ =	swait.ge @!p0 [sflag:s0], s1  }
0x57: {  	s1 =	ssub.s32 @!p0 $0x0, s1;
	[sflag:s0] =	ssyncset.done @!p0 $0x0  }
0x58: {  	[sflag:s0] =	ssyncadd.s32 @!p0 s1  }
0x59: {  	[bflag:$0x3] =	sbarrier.arrive $0xFFFF  }
0x5a: {  	_ =	shalt  }

</sc_bundles>
